<compile_context>
chip_gen: v7x
topology: tpu7x:2x2x1
jax: 0.10.2.dev20260603
libtpu: 0.0.44.dev20260713+nightly
codegen_flags: <defaults>
</compile_context>

<pallas_src>
import functools

import jax
import jax.numpy as jnp
from jax import lax
from jax.experimental import pallas as pl
from jax.experimental.pallas import tpu as pltpu
from jax.experimental.pallas import tpu_sc as plsc

_M, _L = 1024, 512
_NLAT, _NLON = 768, 1536
_K = 262656
_WF = 8192
_WB = 4096

_info = plsc.get_sparse_core_info()
_NC, _NS = _info.num_cores, _info.num_subcores
_NW = _NC * _NS
_RB = 16


def _row_offset(m):
    h = m // 2
    return _L * m - h * (h - 1) - (m % 2) * h


@functools.partial(
    pl.kernel,
    mesh=plsc.VectorSubcoreMesh(core_axis_name="c", subcore_axis_name="s"),
    out_type=jax.ShapeDtypeStruct((_M, _L), jnp.float32),
    scratch_types=[
        pltpu.VMEM((_WF,), jnp.float32),
        pltpu.VMEM((_WB,), jnp.float32),
        pltpu.VMEM((_RB, _L), jnp.float32),
        pltpu.VMEM((_RB, _L), jnp.float32),
        pltpu.SemaphoreType.DMA,
        pltpu.SemaphoreType.DMA,
    ],
    compiler_params=pltpu.CompilerParams(needs_layout_passes=False),
)
def _unpack(oro_hbm, modal_hbm, winf_v, winb_v, blkf_v, blkb_v, semf, semb):
    wid = lax.axis_index("s") * _NC + lax.axis_index("c")
    m0f = wid * _RB
    m0b = _M - (wid + 1) * _RB
    wsf = jnp.minimum((_row_offset(m0f) // 8) * 8, _K - _WF)
    wsb = jnp.minimum((_row_offset(m0b) // 8) * 8, _K - _WB)
    cpf = pltpu.async_copy(oro_hbm.at[pl.ds(wsf, _WF)], winf_v, semf)
    cpb = pltpu.async_copy(oro_hbm.at[pl.ds(wsb, _WB)], winb_v, semb)
    lanes = lax.iota(jnp.int32, 16)
    zvec = jnp.zeros((16,), jnp.float32)

    def build(m0, winstart, win_v, blk_v):
        def row_body(r, carry):
            m = m0 + r
            col0 = m // 2
            base = _row_offset(m) - winstart - col0
            nz = col0 // 16

            @plsc.parallel_loop(0, nz, unroll=4)
            def _zero(v):
                blk_v[r, pl.ds(v * 16, 16)] = zvec

            l_vec = nz * 16 + lanes
            g = jnp.maximum(base + l_vec, 0)
            vals = plsc.load_gather(win_v, [g])
            blk_v[r, pl.ds(nz * 16, 16)] = jnp.where(
                l_vec >= col0, vals, jnp.float32(0.0))

            @plsc.parallel_loop(nz + 1, _L // 16, unroll=8)
            def _gather(v):
                gi = base + (v * 16 + lanes)
                blk_v[r, pl.ds(v * 16, 16)] = plsc.load_gather(win_v, [gi])

            return carry

        lax.fori_loop(0, _RB, row_body, 0)

    cpf.wait()
    build(m0f, wsf, winf_v, blkf_v)
    pltpu.sync_copy(blkf_v, modal_hbm.at[pl.ds(m0f, _RB)])
    cpb.wait()
    build(m0b, wsb, winb_v, blkb_v)
    pltpu.sync_copy(blkb_v, modal_hbm.at[pl.ds(m0b, _RB)])


_BN = 384
_NSTEPS = _NLON // _BN


def _mm_body(modal_ref, p_ref, f_ref, out_ref, tmpb_ref):
    @pl.when(pl.program_id(0) == 0)
    def _legendre():
        mb = modal_ref[...].astype(jnp.bfloat16)
        t = jnp.dot(mb, p_ref[...], preferred_element_type=jnp.float32)
        tmpb_ref[...] = t.astype(jnp.bfloat16)

    out_ref[...] = jnp.dot(f_ref[...], tmpb_ref[...],
                           preferred_element_type=jnp.float32)


_mm = pl.pallas_call(
    _mm_body,
    grid=(_NSTEPS,),
    in_specs=[
        pl.BlockSpec((_M, _L), lambda i: (0, 0)),
        pl.BlockSpec((_L, _NLAT), lambda i: (0, 0)),
        pl.BlockSpec((_BN, _M), lambda i: (i, 0)),
    ],
    out_specs=pl.BlockSpec((_BN, _NLAT), lambda i: (i, 0)),
    out_shape=jax.ShapeDtypeStruct((_NLON, _NLAT), jnp.float32),
    scratch_shapes=[pltpu.VMEM((_M, _NLAT), jnp.bfloat16)],
    compiler_params=pltpu.CompilerParams(dimension_semantics=("arbitrary",)),
)


def kernel(orography, P, F, idx):
    del idx
    return _mm(_unpack(orography),
               P.astype(jnp.bfloat16), F.astype(jnp.bfloat16))

# --- scband reference (transcript-rebuilt; emitter-appended) ---
"""Pipeline reference for scband-modal-orography-64965675319558 (READ-ONLY COPY).

The authoritative reference and input builder live on the scoring server;
editing this copy changes nothing except your own understanding.
"""

import jax, jax.numpy as jnp
import numpy as np

# Static dims mirroring ylm_transform grids
M, L = 1024, 512        # modal grid shape (total wavenumber m dim, degree l dim)
NLAT, NLON = 768, 1536  # nodal (physical) grid


def _build_mask_indices():
    # Triangular-style spectral truncation mask, as in dinosaur's modal grid mask.
    m = np.arange(M)[:, None]
    l = np.arange(L)[None, :]
    mask = l >= (m // 2)  # K = sum = 512*513 = 262656 retained coefficients
    idx = np.nonzero(mask.ravel())[0].astype(np.int32)
    return idx


def setup_inputs(seed: int = 0) -> dict:
    key = jax.random.key(seed)
    k1, k2, k3 = jax.random.split(key, 3)
    idx = jnp.asarray(_build_mask_indices())
    K = idx.shape[0]
    # 1D packed modal orography variable (OrographyVariable), shape (mask.sum(),)
    orography = jax.random.normal(k1, (K,), dtype=jnp.float32)
    # Stand-in for the spherical-harmonics synthesis (to_nodal_array):
    # Legendre synthesis matrix P[l, lat] and Fourier synthesis matrix F[lon, m].
    P = jax.random.normal(k2, (L, NLAT), dtype=jnp.float32) / np.sqrt(L)
    F = jax.random.normal(k3, (NLON, M), dtype=jnp.float32) / np.sqrt(M)
    return {"orography": orography, "P": P, "F": F, "idx": idx}


def reference(orography, P, F, idx):
    # modal_orography property: scatter packed 1D coefficients into dense 2D modal grid.
    # Original: jnp.zeros(modal_grid.shape).at[mask].set(self.orography.value)
    # Boolean-mask scatter expressed via precomputed flat mask indices (scatter-overwrite).
    modal_2d = jnp.zeros((M * L,), dtype=orography.dtype).at[idx].set(orography)
    modal_2d = modal_2d.reshape(M, L)
    # nodal_orography property: ylm_transform.to_nodal_array(modal) ->
    # Legendre transform over l (per m), then Fourier synthesis over m.
    tmp = jnp.einsum("ml,lj->mj", modal_2d, P)   # [M, NLAT]
    nodal = jnp.einsum("im,mj->ij", F, tmp)       # [NLON, NLAT]
    return nodal

if __name__ == "__main__":
    import jax
    _d = setup_inputs()
    print(jax.jit(kernel)(*tuple(_d.values())))

</pallas_src>

<mosaic_0001>
#map = affine_map<(d0, d1) -> (0)>
#map1 = affine_map<(d0, d1) -> (0, 0)>
module attributes {stable_mosaic.version = 14 : i64} {
  func.func @_unpack(%arg0: i32, %arg1: i32, %arg2: memref<262656xf32, #tpu.memory_space<hbm>>, %arg3: memref<1024x512xf32, #tpu.memory_space<hbm>>, %arg4: memref<8192xf32, #tpu.memory_space<vmem>>, %arg5: memref<4096xf32, #tpu.memory_space<vmem>>, %arg6: memref<16x512xf32, #tpu.memory_space<vmem>>, %arg7: memref<16x512xf32, #tpu.memory_space<vmem>>, %arg8: memref<!tpu.dma_semaphore, #tpu.memory_space<semaphore_mem>>, %arg9: memref<!tpu.dma_semaphore, #tpu.memory_space<semaphore_mem>>) attributes {dimension_semantics = [#tpu.dimension_semantics<core_parallel>, #tpu.dimension_semantics<subcore_parallel>], iteration_bounds = array<i64: 2, 16>, scalar_prefetch = 0 : i64, scratch_operands = 6 : i64, tpu.core_type = #tpu.core_type<sc_vector_subcore>, window_params = [{transform_indices = #map}, {transform_indices = #map1}]} {
    %mul3A = arith.constant 2 : i32
    %mul3A_0 = arith.muli %arg1, %mul3A : i32
    %add3A = arith.addi %mul3A_0, %arg0 : i32
    %mul3A_1 = arith.constant 16 : i32
    %mul3A_2 = arith.muli %add3A, %mul3A_1 : i32
    %add3A_3 = arith.constant 1 : i32
    %add3A_4 = arith.addi %add3A, %add3A_3 : i32
    %mul3A_5 = arith.constant 16 : i32
    %mul3A_6 = arith.muli %add3A_4, %mul3A_5 : i32
    %sub3A = arith.constant 1024 : i32
    %sub3A_7 = arith.subi %sub3A, %mul3A_6 : i32
    %jit3A = arith.constant 2 : i32
    %div3A = arith.divsi %mul3A_2, %jit3A : i32
    %sign3A = arith.constant 0 : i32
    %sign3A_8 = arith.cmpi sgt, %mul3A_2, %sign3A : i32
    %sign3A_9 = arith.extui %sign3A_8 : i1 to i32
    %sign3A_10 = arith.constant 0 : i32
    %sign3A_11 = arith.cmpi slt, %mul3A_2, %sign3A_10 : i32
    %sign3A_12 = arith.extui %sign3A_11 : i1 to i32
    %sign3A_13 = arith.subi %sign3A_9, %sign3A_12 : i32
    %sign3A_14 = arith.constant 0 : i32
    %sign3A_15 = arith.cmpi sgt, %jit3A, %sign3A_14 : i32
    %sign3A_16 = arith.extui %sign3A_15 : i1 to i32
    %sign3A_17 = arith.constant 0 : i32
    %sign3A_18 = arith.cmpi slt, %jit3A, %sign3A_17 : i32
    %sign3A_19 = arith.extui %sign3A_18 : i1 to i32
    %sign3A_20 = arith.subi %sign3A_16, %sign3A_19 : i32
    %ne3A = arith.cmpi ne, %sign3A_13, %sign3A_20 : i32
    %rem3A = arith.remsi %mul3A_2, %jit3A : i32
    %ne3A_21 = arith.constant 0 : i32
    %ne3A_22 = arith.cmpi ne, %rem3A, %ne3A_21 : i32
    %and3A = arith.andi %ne3A, %ne3A_22 : i1
    %sub3A_23 = arith.constant 1 : i32
    %sub3A_24 = arith.subi %div3A, %sub3A_23 : i32
    %select_n3A = arith.select %and3A, %sub3A_24, %div3A : i32
    %mul3A_25 = arith.constant 512 : i32
    %mul3A_26 = arith.muli %mul3A_25, %mul3A_2 : i32
    %sub3A_27 = arith.constant 1 : i32
    %sub3A_28 = arith.subi %select_n3A, %sub3A_27 : i32
    %mul3A_29 = arith.muli %select_n3A, %sub3A_28 : i32
    %sub3A_30 = arith.subi %mul3A_26, %mul3A_29 : i32
    %jit3A_31 = arith.constant 2 : i32
    %eq3A = arith.constant 0 : i32
    %eq3A_32 = arith.cmpi eq, %jit3A_31, %eq3A : i32
    %jit3A_33 = arith.constant 1 : i32
    %select_n3A_34 = arith.select %eq3A_32, %jit3A_33, %jit3A_31 : i32
    %rem3A_35 = arith.remsi %mul3A_2, %select_n3A_34 : i32
    %ne3A_36 = arith.constant 0 : i32
    %ne3A_37 = arith.cmpi ne, %rem3A_35, %ne3A_36 : i32
    %lt3A = arith.constant 0 : i32
    %lt3A_38 = arith.cmpi slt, %rem3A_35, %lt3A : i32
    %lt3A_39 = arith.constant 0 : i32
    %lt3A_40 = arith.cmpi slt, %select_n3A_34, %lt3A_39 : i32
    %ne3A_41 = arith.xori %lt3A_38, %lt3A_40 : i1
    %and3A_42 = arith.andi %ne3A_41, %ne3A_37 : i1
    %add3A_43 = arith.addi %rem3A_35, %select_n3A_34 : i32
    %select_n3A_44 = arith.select %and3A_42, %add3A_43, %rem3A_35 : i32
    %mul3A_45 = arith.muli %select_n3A_44, %select_n3A : i32
    %sub3A_46 = arith.subi %sub3A_30, %mul3A_45 : i32
    %jit3A_47 = arith.constant 8 : i32
    %div3A_48 = arith.divsi %sub3A_46, %jit3A_47 : i32
    %sign3A_49 = arith.constant 0 : i32
    %sign3A_50 = arith.cmpi sgt, %sub3A_46, %sign3A_49 : i32
    %sign3A_51 = arith.extui %sign3A_50 : i1 to i32
    %sign3A_52 = arith.constant 0 : i32
    %sign3A_53 = arith.cmpi slt, %sub3A_46, %sign3A_52 : i32
    %sign3A_54 = arith.extui %sign3A_53 : i1 to i32
    %sign3A_55 = arith.subi %sign3A_51, %sign3A_54 : i32
    %sign3A_56 = arith.constant 0 : i32
    %sign3A_57 = arith.cmpi sgt, %jit3A_47, %sign3A_56 : i32
    %sign3A_58 = arith.extui %sign3A_57 : i1 to i32
    %sign3A_59 = arith.constant 0 : i32
    %sign3A_60 = arith.cmpi slt, %jit3A_47, %sign3A_59 : i32
    %sign3A_61 = arith.extui %sign3A_60 : i1 to i32
    %sign3A_62 = arith.subi %sign3A_58, %sign3A_61 : i32
    %ne3A_63 = arith.cmpi ne, %sign3A_55, %sign3A_62 : i32
    %rem3A_64 = arith.remsi %sub3A_46, %jit3A_47 : i32
    %ne3A_65 = arith.constant 0 : i32
    %ne3A_66 = arith.cmpi ne, %rem3A_64, %ne3A_65 : i32
    %and3A_67 = arith.andi %ne3A_63, %ne3A_66 : i1
    %sub3A_68 = arith.constant 1 : i32
    %sub3A_69 = arith.subi %div3A_48, %sub3A_68 : i32
    %select_n3A_70 = arith.select %and3A_67, %sub3A_69, %div3A_48 : i32
    %mul3A_71 = arith.constant 8 : i32
    %mul3A_72 = arith.muli %select_n3A_70, %mul3A_71 : i32
    %min3A = arith.constant 254464 : i32
    %min3A_73 = arith.minsi %mul3A_72, %min3A : i32
    %jit3A_74 = arith.constant 2 : i32
    %div3A_75 = arith.divsi %sub3A_7, %jit3A_74 : i32
    %sign3A_76 = arith.constant 0 : i32
    %sign3A_77 = arith.cmpi sgt, %sub3A_7, %sign3A_76 : i32
    %sign3A_78 = arith.extui %sign3A_77 : i1 to i32
    %sign3A_79 = arith.constant 0 : i32
    %sign3A_80 = arith.cmpi slt, %sub3A_7, %sign3A_79 : i32
    %sign3A_81 = arith.extui %sign3A_80 : i1 to i32
    %sign3A_82 = arith.subi %sign3A_78, %sign3A_81 : i32
    %sign3A_83 = arith.constant 0 : i32
    %sign3A_84 = arith.cmpi sgt, %jit3A_74, %sign3A_83 : i32
    %sign3A_85 = arith.extui %sign3A_84 : i1 to i32
    %sign3A_86 = arith.constant 0 : i32
    %sign3A_87 = arith.cmpi slt, %jit3A_74, %sign3A_86 : i32
    %sign3A_88 = arith.extui %sign3A_87 : i1 to i32
    %sign3A_89 = arith.subi %sign3A_85, %sign3A_88 : i32
    %ne3A_90 = arith.cmpi ne, %sign3A_82, %sign3A_89 : i32
    %rem3A_91 = arith.remsi %sub3A_7, %jit3A_74 : i32
    %ne3A_92 = arith.constant 0 : i32
    %ne3A_93 = arith.cmpi ne, %rem3A_91, %ne3A_92 : i32
    %and3A_94 = arith.andi %ne3A_90, %ne3A_93 : i1
    %sub3A_95 = arith.constant 1 : i32
    %sub3A_96 = arith.subi %div3A_75, %sub3A_95 : i32
    %select_n3A_97 = arith.select %and3A_94, %sub3A_96, %div3A_75 : i32
    %mul3A_98 = arith.constant 512 : i32
    %mul3A_99 = arith.muli %mul3A_98, %sub3A_7 : i32
    %sub3A_100 = arith.constant 1 : i32
    %sub3A_101 = arith.subi %select_n3A_97, %sub3A_100 : i32
    %mul3A_102 = arith.muli %select_n3A_97, %sub3A_101 : i32
    %sub3A_103 = arith.subi %mul3A_99, %mul3A_102 : i32
    %jit3A_104 = arith.constant 2 : i32
    %eq3A_105 = arith.constant 0 : i32
    %eq3A_106 = arith.cmpi eq, %jit3A_104, %eq3A_105 : i32
    %jit3A_107 = arith.constant 1 : i32
    %select_n3A_108 = arith.select %eq3A_106, %jit3A_107, %jit3A_104 : i32
    %rem3A_109 = arith.remsi %sub3A_7, %select_n3A_108 : i32
    %ne3A_110 = arith.constant 0 : i32
    %ne3A_111 = arith.cmpi ne, %rem3A_109, %ne3A_110 : i32
    %lt3A_112 = arith.constant 0 : i32
    %lt3A_113 = arith.cmpi slt, %rem3A_109, %lt3A_112 : i32
    %lt3A_114 = arith.constant 0 : i32
    %lt3A_115 = arith.cmpi slt, %select_n3A_108, %lt3A_114 : i32
    %ne3A_116 = arith.xori %lt3A_113, %lt3A_115 : i1
    %and3A_117 = arith.andi %ne3A_116, %ne3A_111 : i1
    %add3A_118 = arith.addi %rem3A_109, %select_n3A_108 : i32
    %select_n3A_119 = arith.select %and3A_117, %add3A_118, %rem3A_109 : i32
    %mul3A_120 = arith.muli %select_n3A_119, %select_n3A_97 : i32
    %sub3A_121 = arith.subi %sub3A_103, %mul3A_120 : i32
    %jit3A_122 = arith.constant 8 : i32
    %div3A_123 = arith.divsi %sub3A_121, %jit3A_122 : i32
    %sign3A_124 = arith.constant 0 : i32
    %sign3A_125 = arith.cmpi sgt, %sub3A_121, %sign3A_124 : i32
    %sign3A_126 = arith.extui %sign3A_125 : i1 to i32
    %sign3A_127 = arith.constant 0 : i32
    %sign3A_128 = arith.cmpi slt, %sub3A_121, %sign3A_127 : i32
    %sign3A_129 = arith.extui %sign3A_128 : i1 to i32
    %sign3A_130 = arith.subi %sign3A_126, %sign3A_129 : i32
    %sign3A_131 = arith.constant 0 : i32
    %sign3A_132 = arith.cmpi sgt, %jit3A_122, %sign3A_131 : i32
    %sign3A_133 = arith.extui %sign3A_132 : i1 to i32
    %sign3A_134 = arith.constant 0 : i32
    %sign3A_135 = arith.cmpi slt, %jit3A_122, %sign3A_134 : i32
    %sign3A_136 = arith.extui %sign3A_135 : i1 to i32
    %sign3A_137 = arith.subi %sign3A_133, %sign3A_136 : i32
    %ne3A_138 = arith.cmpi ne, %sign3A_130, %sign3A_137 : i32
    %rem3A_139 = arith.remsi %sub3A_121, %jit3A_122 : i32
    %ne3A_140 = arith.constant 0 : i32
    %ne3A_141 = arith.cmpi ne, %rem3A_139, %ne3A_140 : i32
    %and3A_142 = arith.andi %ne3A_138, %ne3A_141 : i1
    %sub3A_143 = arith.constant 1 : i32
    %sub3A_144 = arith.subi %div3A_123, %sub3A_143 : i32
    %select_n3A_145 = arith.select %and3A_142, %sub3A_144, %div3A_123 : i32
    %mul3A_146 = arith.constant 8 : i32
    %mul3A_147 = arith.muli %select_n3A_145, %mul3A_146 : i32
    %min3A_148 = arith.constant 258560 : i32
    %min3A_149 = arith.minsi %mul3A_147, %min3A_148 : i32
    %dma_start3A = tpu.memref_slice %arg2[%min3A_73] : memref<262656xf32, #tpu.memory_space<hbm>> -> memref<8192xf32, #tpu.memory_space<hbm>>
    %dma_start3A_150 = tpu.memref_slice %arg2[%min3A_73] : memref<262656xf32, #tpu.memory_space<hbm>> -> memref<8192xf32, #tpu.memory_space<hbm>>
    tpu.enqueue_dma source(%dma_start3A_150 : memref<8192xf32, #tpu.memory_space<hbm>>) target(%arg4 : memref<8192xf32, #tpu.memory_space<vmem>>) target_semaphore(%arg8 : memref<!tpu.dma_semaphore, #tpu.memory_space<semaphore_mem>>)
    %dma_start3A_151 = tpu.memref_slice %arg2[%min3A_149] : memref<262656xf32, #tpu.memory_space<hbm>> -> memref<4096xf32, #tpu.memory_space<hbm>>
    %dma_start3A_152 = tpu.memref_slice %arg2[%min3A_149] : memref<262656xf32, #tpu.memory_space<hbm>> -> memref<4096xf32, #tpu.memory_space<hbm>>
    tpu.enqueue_dma source(%dma_start3A_152 : memref<4096xf32, #tpu.memory_space<hbm>>) target(%arg5 : memref<4096xf32, #tpu.memory_space<vmem>>) target_semaphore(%arg9 : memref<!tpu.dma_semaphore, #tpu.memory_space<semaphore_mem>>)
    %iota3A = tpu.iota {dimensions = array<i32: 0>} : vector<16xi32>
    %broadcast_in_dim3A = arith.constant 0.000000e+00 : f32
    %broadcast_in_dim3A_153 = vector.broadcast %broadcast_in_dim3A : f32 to vector<16xf32>
    %dma_wait3A = tpu.memref_slice %arg2[%min3A_73] : memref<262656xf32, #tpu.memory_space<hbm>> -> memref<8192xf32, #tpu.memory_space<hbm>>
    %dma_wait3A_154 = tpu.memref_slice %arg2[%min3A_73] : memref<262656xf32, #tpu.memory_space<hbm>> -> memref<8192xf32, #tpu.memory_space<hbm>>
    tpu.wait_dma2 semaphore(%arg8 : memref<!tpu.dma_semaphore, #tpu.memory_space<semaphore_mem>>) src(%dma_wait3A_154 : memref<8192xf32, #tpu.memory_space<hbm>>) dst(%arg4 : memref<8192xf32, #tpu.memory_space<vmem>>)
    %scan3A = arith.constant 0 : i32
    %scan3A_155 = arith.constant 0 : i32
    %scan3A_156 = arith.constant 16 : i32
    %scan3A_157 = arith.addi %scan3A_155, %scan3A_156 : i32
    %scan3A_158 = arith.constant 1 : i32
    scf.for %scan3A_168 = %scan3A_155 to %scan3A_157 step %scan3A_158  : i32 {
      %add3A_169 = arith.addi %mul3A_2, %scan3A_168 : i32
      %jit3A_170 = arith.constant 2 : i32
      %div3A_171 = arith.divsi %add3A_169, %jit3A_170 : i32
      %sign3A_172 = arith.constant 0 : i32
      %sign3A_173 = arith.cmpi sgt, %add3A_169, %sign3A_172 : i32
      %sign3A_174 = arith.extui %sign3A_173 : i1 to i32
      %sign3A_175 = arith.constant 0 : i32
      %sign3A_176 = arith.cmpi slt, %add3A_169, %sign3A_175 : i32
      %sign3A_177 = arith.extui %sign3A_176 : i1 to i32
      %sign3A_178 = arith.subi %sign3A_174, %sign3A_177 : i32
      %sign3A_179 = arith.constant 0 : i32
      %sign3A_180 = arith.cmpi sgt, %jit3A_170, %sign3A_179 : i32
      %sign3A_181 = arith.extui %sign3A_180 : i1 to i32
      %sign3A_182 = arith.constant 0 : i32
      %sign3A_183 = arith.cmpi slt, %jit3A_170, %sign3A_182 : i32
      %sign3A_184 = arith.extui %sign3A_183 : i1 to i32
      %sign3A_185 = arith.subi %sign3A_181, %sign3A_184 : i32
      %ne3A_186 = arith.cmpi ne, %sign3A_178, %sign3A_185 : i32
      %rem3A_187 = arith.remsi %add3A_169, %jit3A_170 : i32
      %ne3A_188 = arith.constant 0 : i32
      %ne3A_189 = arith.cmpi ne, %rem3A_187, %ne3A_188 : i32
      %and3A_190 = arith.andi %ne3A_186, %ne3A_189 : i1
      %sub3A_191 = arith.constant 1 : i32
      %sub3A_192 = arith.subi %div3A_171, %sub3A_191 : i32
      %select_n3A_193 = arith.select %and3A_190, %sub3A_192, %div3A_171 : i32
      %jit3A_194 = arith.constant 2 : i32
      %div3A_195 = arith.divsi %add3A_169, %jit3A_194 : i32
      %sign3A_196 = arith.constant 0 : i32
      %sign3A_197 = arith.cmpi sgt, %add3A_169, %sign3A_196 : i32
      %sign3A_198 = arith.extui %sign3A_197 : i1 to i32
      %sign3A_199 = arith.constant 0 : i32
      %sign3A_200 = arith.cmpi slt, %add3A_169, %sign3A_199 : i32
      %sign3A_201 = arith.extui %sign3A_200 : i1 to i32
      %sign3A_202 = arith.subi %sign3A_198, %sign3A_201 : i32
      %sign3A_203 = arith.constant 0 : i32
      %sign3A_204 = arith.cmpi sgt, %jit3A_194, %sign3A_203 : i32
      %sign3A_205 = arith.extui %sign3A_204 : i1 to i32
      %sign3A_206 = arith.constant 0 : i32
      %sign3A_207 = arith.cmpi slt, %jit3A_194, %sign3A_206 : i32
      %sign3A_208 = arith.extui %sign3A_207 : i1 to i32
      %sign3A_209 = arith.subi %sign3A_205, %sign3A_208 : i32
      %ne3A_210 = arith.cmpi ne, %sign3A_202, %sign3A_209 : i32
      %rem3A_211 = arith.remsi %add3A_169, %jit3A_194 : i32
      %ne3A_212 = arith.constant 0 : i32
      %ne3A_213 = arith.cmpi ne, %rem3A_211, %ne3A_212 : i32
      %and3A_214 = arith.andi %ne3A_210, %ne3A_213 : i1
      %sub3A_215 = arith.constant 1 : i32
      %sub3A_216 = arith.subi %div3A_195, %sub3A_215 : i32
      %select_n3A_217 = arith.select %and3A_214, %sub3A_216, %div3A_195 : i32
      %mul3A_218 = arith.constant 512 : i32
      %mul3A_219 = arith.muli %mul3A_218, %add3A_169 : i32
      %sub3A_220 = arith.constant 1 : i32
      %sub3A_221 = arith.subi %select_n3A_217, %sub3A_220 : i32
      %mul3A_222 = arith.muli %select_n3A_217, %sub3A_221 : i32
      %sub3A_223 = arith.subi %mul3A_219, %mul3A_222 : i32
      %jit3A_224 = arith.constant 2 : i32
      %eq3A_225 = arith.constant 0 : i32
      %eq3A_226 = arith.cmpi eq, %jit3A_224, %eq3A_225 : i32
      %jit3A_227 = arith.constant 1 : i32
      %select_n3A_228 = arith.select %eq3A_226, %jit3A_227, %jit3A_224 : i32
      %rem3A_229 = arith.remsi %add3A_169, %select_n3A_228 : i32
      %ne3A_230 = arith.constant 0 : i32
      %ne3A_231 = arith.cmpi ne, %rem3A_229, %ne3A_230 : i32
      %lt3A_232 = arith.constant 0 : i32
      %lt3A_233 = arith.cmpi slt, %rem3A_229, %lt3A_232 : i32
      %lt3A_234 = arith.constant 0 : i32
      %lt3A_235 = arith.cmpi slt, %select_n3A_228, %lt3A_234 : i32
      %ne3A_236 = arith.xori %lt3A_233, %lt3A_235 : i1
      %and3A_237 = arith.andi %ne3A_236, %ne3A_231 : i1
      %add3A_238 = arith.addi %rem3A_229, %select_n3A_228 : i32
      %select_n3A_239 = arith.select %and3A_237, %add3A_238, %rem3A_229 : i32
      %mul3A_240 = arith.muli %select_n3A_239, %select_n3A_217 : i32
      %sub3A_241 = arith.subi %sub3A_223, %mul3A_240 : i32
      %sub3A_242 = arith.subi %sub3A_241, %min3A_73 : i32
      %sub3A_243 = arith.subi %sub3A_242, %select_n3A_193 : i32
      %jit3A_244 = arith.constant 16 : i32
      %div3A_245 = arith.divsi %select_n3A_193, %jit3A_244 : i32
      %sign3A_246 = arith.constant 0 : i32
      %sign3A_247 = arith.cmpi sgt, %select_n3A_193, %sign3A_246 : i32
      %sign3A_248 = arith.extui %sign3A_247 : i1 to i32
      %sign3A_249 = arith.constant 0 : i32
      %sign3A_250 = arith.cmpi slt, %select_n3A_193, %sign3A_249 : i32
      %sign3A_251 = arith.extui %sign3A_250 : i1 to i32
      %sign3A_252 = arith.subi %sign3A_248, %sign3A_251 : i32
      %sign3A_253 = arith.constant 0 : i32
      %sign3A_254 = arith.cmpi sgt, %jit3A_244, %sign3A_253 : i32
      %sign3A_255 = arith.extui %sign3A_254 : i1 to i32
      %sign3A_256 = arith.constant 0 : i32
      %sign3A_257 = arith.cmpi slt, %jit3A_244, %sign3A_256 : i32
      %sign3A_258 = arith.extui %sign3A_257 : i1 to i32
      %sign3A_259 = arith.subi %sign3A_255, %sign3A_258 : i32
      %ne3A_260 = arith.cmpi ne, %sign3A_252, %sign3A_259 : i32
      %rem3A_261 = arith.remsi %select_n3A_193, %jit3A_244 : i32
      %ne3A_262 = arith.constant 0 : i32
      %ne3A_263 = arith.cmpi ne, %rem3A_261, %ne3A_262 : i32
      %and3A_264 = arith.andi %ne3A_260, %ne3A_263 : i1
      %sub3A_265 = arith.constant 1 : i32
      %sub3A_266 = arith.subi %div3A_245, %sub3A_265 : i32
      %select_n3A_267 = arith.select %and3A_264, %sub3A_266, %div3A_245 : i32
      %parallel_loop3A = arith.constant 0 : i32
      %parallel_loop3A_268 = arith.constant 1 : i32
      scf.for %parallel_loop3A_289 = %parallel_loop3A to %select_n3A_267 step %parallel_loop3A_268  : i32 {
        %parallel_loop3A_290 = arith.constant 16 : i32
        %parallel_loop3A_291 = arith.muli %parallel_loop3A_289, %parallel_loop3A_290 : i32
        %parallel_loop3A_292 = arith.index_cast %scan3A_168 : i32 to index
        %parallel_loop3A_293 = arith.index_cast %parallel_loop3A_291 : i32 to index
        %parallel_loop3A_294 = tpu.vector_load %arg6[%parallel_loop3A_292, %parallel_loop3A_293] {strides = array<i32>} : memref<16x512xf32, #tpu.memory_space<vmem>>, vector<16xf32>,
        tpu.vector_store %arg6[%parallel_loop3A_292, %parallel_loop3A_293], %broadcast_in_dim3A_153 {strides = array<i32>} : memref<16x512xf32, #tpu.memory_space<vmem>>, vector<16xf32>,
      } {sc.loop_unroll_factor = 4 : i64, sc.parallel_access}
      %mul3A_269 = arith.constant 16 : i32
      %mul3A_270 = arith.muli %select_n3A_267, %mul3A_269 : i32
      %add3A_271 = vector.broadcast %mul3A_270 : i32 to vector<16xi32>
      %add3A_272 = arith.addi %add3A_271, %iota3A : vector<16xi32>
      %add3A_273 = vector.broadcast %sub3A_243 : i32 to vector<16xi32>
      %add3A_274 = arith.addi %add3A_273, %add3A_272 : vector<16xi32>
      %max3A = arith.constant 0 : i32
      %max3A_275 = vector.broadcast %max3A : i32 to vector<16xi32>
      %max3A_276 = arith.maxsi %add3A_274, %max3A_275 : vector<16xi32>
      %gather3A = tpu.vector_load_idx %arg4[%max3A_276] : memref<8192xf32, #tpu.memory_space<vmem>>[vector<16xi32>], vector<16xf32>,
      %ge3A = vector.broadcast %select_n3A_193 : i32 to vector<16xi32>
      %ge3A_277 = arith.cmpi sge, %add3A_272, %ge3A : vector<16xi32>
      %jit3A_278 = arith.constant 0.000000e+00 : f32
      %broadcast_in_dim3A_279 = vector.broadcast %jit3A_278 : f32 to vector<16xf32>
      %select_n3A_280 = arith.select %ge3A_277, %gather3A, %broadcast_in_dim3A_279 : vector<16xi1>, vector<16xf32>
      %mul3A_281 = arith.constant 16 : i32
      %mul3A_282 = arith.muli %select_n3A_267, %mul3A_281 : i32
      %swap3A = arith.index_cast %scan3A_168 : i32 to index
      %swap3A_283 = arith.index_cast %mul3A_282 : i32 to index
      %swap3A_284 = tpu.vector_load %arg6[%swap3A, %swap3A_283] {strides = array<i32>} : memref<16x512xf32, #tpu.memory_space<vmem>>, vector<16xf32>,
      tpu.vector_store %arg6[%swap3A, %swap3A_283], %select_n3A_280 {strides = array<i32>} : memref<16x512xf32, #tpu.memory_space<vmem>>, vector<16xf32>,
      %add3A_285 = arith.constant 1 : i32
      %add3A_286 = arith.addi %select_n3A_267, %add3A_285 : i32
      %parallel_loop3A_287 = arith.constant 32 : i32
      %parallel_loop3A_288 = arith.constant 1 : i32
      scf.for %parallel_loop3A_289 = %add3A_286 to %parallel_loop3A_287 step %parallel_loop3A_288  : i32 {
        %parallel_loop3A_290 = arith.constant 16 : i32
        %parallel_loop3A_291 = arith.muli %parallel_loop3A_289, %parallel_loop3A_290 : i32
        %parallel_loop3A_292 = vector.broadcast %parallel_loop3A_291 : i32 to vector<16xi32>
        %parallel_loop3A_293 = arith.addi %parallel_loop3A_292, %iota3A : vector<16xi32>
        %parallel_loop3A_294 = vector.broadcast %sub3A_243 : i32 to vector<16xi32>
        %parallel_loop3A_295 = arith.addi %parallel_loop3A_294, %parallel_loop3A_293 : vector<16xi32>
        %parallel_loop3A_296 = tpu.vector_load_idx %arg4[%parallel_loop3A_295] : memref<8192xf32, #tpu.memory_space<vmem>>[vector<16xi32>], vector<16xf32>,
        %parallel_loop3A_297 = arith.constant 16 : i32
        %parallel_loop3A_298 = arith.muli %parallel_loop3A_289, %parallel_loop3A_297 : i32
        %parallel_loop3A_299 = arith.index_cast %scan3A_168 : i32 to index
        %parallel_loop3A_300 = arith.index_cast %parallel_loop3A_298 : i32 to index
        %parallel_loop3A_301 = tpu.vector_load %arg6[%parallel_loop3A_299, %parallel_loop3A_300] {strides = array<i32>} : memref<16x512xf32, #tpu.memory_space<vmem>>, vector<16xf32>,
        tpu.vector_store %arg6[%parallel_loop3A_299, %parallel_loop3A_300], %parallel_loop3A_296 {strides = array<i32>} : memref<16x512xf32, #tpu.memory_space<vmem>>, vector<16xf32>,
      } {sc.loop_unroll_factor = 8 : i64, sc.parallel_access}
    }
    %scan3A_159 = arith.constant 16 : i32
    "tpu.region"() ({
      %run_scoped3A = tpu.sem_alloc : memref<!tpu.dma_semaphore, #tpu.memory_space<semaphore_mem>>
      %dma_start3A_168 = arith.constant 0 : i32
      %dma_start3A_169 = tpu.memref_slice %arg3[%mul3A_2, %dma_start3A_168] : memref<1024x512xf32, #tpu.memory_space<hbm>> -> memref<16x512xf32, #tpu.memory_space<hbm>>
      %dma_start3A_170 = arith.constant 0 : i32
      %dma_start3A_171 = tpu.memref_slice %arg3[%mul3A_2, %dma_start3A_170] : memref<1024x512xf32, #tpu.memory_space<hbm>> -> memref<16x512xf32, #tpu.memory_space<hbm>>
      tpu.enqueue_dma source(%arg6 : memref<16x512xf32, #tpu.memory_space<vmem>>) target(%dma_start3A_171 : memref<16x512xf32, #tpu.memory_space<hbm>>) target_semaphore(%run_scoped3A : memref<!tpu.dma_semaphore, #tpu.memory_space<semaphore_mem>>)
      %dma_wait3A_172 = arith.constant 0 : i32
      %dma_wait3A_173 = tpu.memref_slice %arg3[%mul3A_2, %dma_wait3A_172] : memref<1024x512xf32, #tpu.memory_space<hbm>> -> memref<16x512xf32, #tpu.memory_space<hbm>>
      %dma_wait3A_174 = arith.constant 0 : i32
      %dma_wait3A_175 = tpu.memref_slice %arg3[%mul3A_2, %dma_wait3A_174] : memref<1024x512xf32, #tpu.memory_space<hbm>> -> memref<16x512xf32, #tpu.memory_space<hbm>>
      tpu.wait_dma2 semaphore(%run_scoped3A : memref<!tpu.dma_semaphore, #tpu.memory_space<semaphore_mem>>) src(%arg6 : memref<16x512xf32, #tpu.memory_space<vmem>>) dst(%dma_wait3A_175 : memref<16x512xf32, #tpu.memory_space<hbm>>)
      tpu.yield
    }) : () -> ()
    %dma_wait3A_160 = tpu.memref_slice %arg2[%min3A_149] : memref<262656xf32, #tpu.memory_space<hbm>> -> memref<4096xf32, #tpu.memory_space<hbm>>
    %dma_wait3A_161 = tpu.memref_slice %arg2[%min3A_149] : memref<262656xf32, #tpu.memory_space<hbm>> -> memref<4096xf32, #tpu.memory_space<hbm>>
    tpu.wait_dma2 semaphore(%arg9 : memref<!tpu.dma_semaphore, #tpu.memory_space<semaphore_mem>>) src(%dma_wait3A_161 : memref<4096xf32, #tpu.memory_space<hbm>>) dst(%arg5 : memref<4096xf32, #tpu.memory_space<vmem>>)
    %scan3A_162 = arith.constant 0 : i32
    %scan3A_163 = arith.constant 0 : i32
    %scan3A_164 = arith.constant 16 : i32
    %scan3A_165 = arith.addi %scan3A_163, %scan3A_164 : i32
    %scan3A_166 = arith.constant 1 : i32
    scf.for %scan3A_168 = %scan3A_163 to %scan3A_165 step %scan3A_166  : i32 {
      %add3A_169 = arith.addi %sub3A_7, %scan3A_168 : i32
      %jit3A_170 = arith.constant 2 : i32
      %div3A_171 = arith.divsi %add3A_169, %jit3A_170 : i32
      %sign3A_172 = arith.constant 0 : i32
      %sign3A_173 = arith.cmpi sgt, %add3A_169, %sign3A_172 : i32
      %sign3A_174 = arith.extui %sign3A_173 : i1 to i32
      %sign3A_175 = arith.constant 0 : i32
      %sign3A_176 = arith.cmpi slt, %add3A_169, %sign3A_175 : i32
      %sign3A_177 = arith.extui %sign3A_176 : i1 to i32
      %sign3A_178 = arith.subi %sign3A_174, %sign3A_177 : i32
      %sign3A_179 = arith.constant 0 : i32
      %sign3A_180 = arith.cmpi sgt, %jit3A_170, %sign3A_179 : i32
      %sign3A_181 = arith.extui %sign3A_180 : i1 to i32
      %sign3A_182 = arith.constant 0 : i32
      %sign3A_183 = arith.cmpi slt, %jit3A_170, %sign3A_182 : i32
      %sign3A_184 = arith.extui %sign3A_183 : i1 to i32
      %sign3A_185 = arith.subi %sign3A_181, %sign3A_184 : i32
      %ne3A_186 = arith.cmpi ne, %sign3A_178, %sign3A_185 : i32
      %rem3A_187 = arith.remsi %add3A_169, %jit3A_170 : i32
      %ne3A_188 = arith.constant 0 : i32
      %ne3A_189 = arith.cmpi ne, %rem3A_187, %ne3A_188 : i32
      %and3A_190 = arith.andi %ne3A_186, %ne3A_189 : i1
      %sub3A_191 = arith.constant 1 : i32
      %sub3A_192 = arith.subi %div3A_171, %sub3A_191 : i32
      %select_n3A_193 = arith.select %and3A_190, %sub3A_192, %div3A_171 : i32
      %jit3A_194 = arith.constant 2 : i32
      %div3A_195 = arith.divsi %add3A_169, %jit3A_194 : i32
      %sign3A_196 = arith.constant 0 : i32
      %sign3A_197 = arith.cmpi sgt, %add3A_169, %sign3A_196 : i32
      %sign3A_198 = arith.extui %sign3A_197 : i1 to i32
      %sign3A_199 = arith.constant 0 : i32
      %sign3A_200 = arith.cmpi slt, %add3A_169, %sign3A_199 : i32
      %sign3A_201 = arith.extui %sign3A_200 : i1 to i32
      %sign3A_202 = arith.subi %sign3A_198, %sign3A_201 : i32
      %sign3A_203 = arith.constant 0 : i32
      %sign3A_204 = arith.cmpi sgt, %jit3A_194, %sign3A_203 : i32
      %sign3A_205 = arith.extui %sign3A_204 : i1 to i32
      %sign3A_206 = arith.constant 0 : i32
      %sign3A_207 = arith.cmpi slt, %jit3A_194, %sign3A_206 : i32
      %sign3A_208 = arith.extui %sign3A_207 : i1 to i32
      %sign3A_209 = arith.subi %sign3A_205, %sign3A_208 : i32
      %ne3A_210 = arith.cmpi ne, %sign3A_202, %sign3A_209 : i32
      %rem3A_211 = arith.remsi %add3A_169, %jit3A_194 : i32
      %ne3A_212 = arith.constant 0 : i32
      %ne3A_213 = arith.cmpi ne, %rem3A_211, %ne3A_212 : i32
      %and3A_214 = arith.andi %ne3A_210, %ne3A_213 : i1
      %sub3A_215 = arith.constant 1 : i32
      %sub3A_216 = arith.subi %div3A_195, %sub3A_215 : i32
      %select_n3A_217 = arith.select %and3A_214, %sub3A_216, %div3A_195 : i32
      %mul3A_218 = arith.constant 512 : i32
      %mul3A_219 = arith.muli %mul3A_218, %add3A_169 : i32
      %sub3A_220 = arith.constant 1 : i32
      %sub3A_221 = arith.subi %select_n3A_217, %sub3A_220 : i32
      %mul3A_222 = arith.muli %select_n3A_217, %sub3A_221 : i32
      %sub3A_223 = arith.subi %mul3A_219, %mul3A_222 : i32
      %jit3A_224 = arith.constant 2 : i32
      %eq3A_225 = arith.constant 0 : i32
      %eq3A_226 = arith.cmpi eq, %jit3A_224, %eq3A_225 : i32
      %jit3A_227 = arith.constant 1 : i32
      %select_n3A_228 = arith.select %eq3A_226, %jit3A_227, %jit3A_224 : i32
      %rem3A_229 = arith.remsi %add3A_169, %select_n3A_228 : i32
      %ne3A_230 = arith.constant 0 : i32
      %ne3A_231 = arith.cmpi ne, %rem3A_229, %ne3A_230 : i32
      %lt3A_232 = arith.constant 0 : i32
      %lt3A_233 = arith.cmpi slt, %rem3A_229, %lt3A_232 : i32
      %lt3A_234 = arith.constant 0 : i32
      %lt3A_235 = arith.cmpi slt, %select_n3A_228, %lt3A_234 : i32
      %ne3A_236 = arith.xori %lt3A_233, %lt3A_235 : i1
      %and3A_237 = arith.andi %ne3A_236, %ne3A_231 : i1
      %add3A_238 = arith.addi %rem3A_229, %select_n3A_228 : i32
      %select_n3A_239 = arith.select %and3A_237, %add3A_238, %rem3A_229 : i32
      %mul3A_240 = arith.muli %select_n3A_239, %select_n3A_217 : i32
      %sub3A_241 = arith.subi %sub3A_223, %mul3A_240 : i32
      %sub3A_242 = arith.subi %sub3A_241, %min3A_149 : i32
      %sub3A_243 = arith.subi %sub3A_242, %select_n3A_193 : i32
      %jit3A_244 = arith.constant 16 : i32
      %div3A_245 = arith.divsi %select_n3A_193, %jit3A_244 : i32
      %sign3A_246 = arith.constant 0 : i32
      %sign3A_247 = arith.cmpi sgt, %select_n3A_193, %sign3A_246 : i32
      %sign3A_248 = arith.extui %sign3A_247 : i1 to i32
      %sign3A_249 = arith.constant 0 : i32
      %sign3A_250 = arith.cmpi slt, %select_n3A_193, %sign3A_249 : i32
      %sign3A_251 = arith.extui %sign3A_250 : i1 to i32
      %sign3A_252 = arith.subi %sign3A_248, %sign3A_251 : i32
      %sign3A_253 = arith.constant 0 : i32
      %sign3A_254 = arith.cmpi sgt, %jit3A_244, %sign3A_253 : i32
      %sign3A_255 = arith.extui %sign3A_254 : i1 to i32
      %sign3A_256 = arith.constant 0 : i32
      %sign3A_257 = arith.cmpi slt, %jit3A_244, %sign3A_256 : i32
      %sign3A_258 = arith.extui %sign3A_257 : i1 to i32
      %sign3A_259 = arith.subi %sign3A_255, %sign3A_258 : i32
      %ne3A_260 = arith.cmpi ne, %sign3A_252, %sign3A_259 : i32
      %rem3A_261 = arith.remsi %select_n3A_193, %jit3A_244 : i32
      %ne3A_262 = arith.constant 0 : i32
      %ne3A_263 = arith.cmpi ne, %rem3A_261, %ne3A_262 : i32
      %and3A_264 = arith.andi %ne3A_260, %ne3A_263 : i1
      %sub3A_265 = arith.constant 1 : i32
      %sub3A_266 = arith.subi %div3A_245, %sub3A_265 : i32
      %select_n3A_267 = arith.select %and3A_264, %sub3A_266, %div3A_245 : i32
      %parallel_loop3A = arith.constant 0 : i32
      %parallel_loop3A_268 = arith.constant 1 : i32
      scf.for %parallel_loop3A_289 = %parallel_loop3A to %select_n3A_267 step %parallel_loop3A_268  : i32 {
        %parallel_loop3A_290 = arith.constant 16 : i32
        %parallel_loop3A_291 = arith.muli %parallel_loop3A_289, %parallel_loop3A_290 : i32
        %parallel_loop3A_292 = arith.index_cast %scan3A_168 : i32 to index
        %parallel_loop3A_293 = arith.index_cast %parallel_loop3A_291 : i32 to index
        %parallel_loop3A_294 = tpu.vector_load %arg7[%parallel_loop3A_292, %parallel_loop3A_293] {strides = array<i32>} : memref<16x512xf32, #tpu.memory_space<vmem>>, vector<16xf32>,
        tpu.vector_store %arg7[%parallel_loop3A_292, %parallel_loop3A_293], %broadcast_in_dim3A_153 {strides = array<i32>} : memref<16x512xf32, #tpu.memory_space<vmem>>, vector<16xf32>,
      } {sc.loop_unroll_factor = 4 : i64, sc.parallel_access}
      %mul3A_269 = arith.constant 16 : i32
      %mul3A_270 = arith.muli %select_n3A_267, %mul3A_269 : i32
      %add3A_271 = vector.broadcast %mul3A_270 : i32 to vector<16xi32>
      %add3A_272 = arith.addi %add3A_271, %iota3A : vector<16xi32>
      %add3A_273 = vector.broadcast %sub3A_243 : i32 to vector<16xi32>
      %add3A_274 = arith.addi %add3A_273, %add3A_272 : vector<16xi32>
      %max3A = arith.constant 0 : i32
      %max3A_275 = vector.broadcast %max3A : i32 to vector<16xi32>
      %max3A_276 = arith.maxsi %add3A_274, %max3A_275 : vector<16xi32>
      %gather3A = tpu.vector_load_idx %arg5[%max3A_276] : memref<4096xf32, #tpu.memory_space<vmem>>[vector<16xi32>], vector<16xf32>,
      %ge3A = vector.broadcast %select_n3A_193 : i32 to vector<16xi32>
      %ge3A_277 = arith.cmpi sge, %add3A_272, %ge3A : vector<16xi32>
      %jit3A_278 = arith.constant 0.000000e+00 : f32
      %broadcast_in_dim3A_279 = vector.broadcast %jit3A_278 : f32 to vector<16xf32>
      %select_n3A_280 = arith.select %ge3A_277, %gather3A, %broadcast_in_dim3A_279 : vector<16xi1>, vector<16xf32>
      %mul3A_281 = arith.constant 16 : i32
      %mul3A_282 = arith.muli %select_n3A_267, %mul3A_281 : i32
      %swap3A = arith.index_cast %scan3A_168 : i32 to index
      %swap3A_283 = arith.index_cast %mul3A_282 : i32 to index
      %swap3A_284 = tpu.vector_load %arg7[%swap3A, %swap3A_283] {strides = array<i32>} : memref<16x512xf32, #tpu.memory_space<vmem>>, vector<16xf32>,
      tpu.vector_store %arg7[%swap3A, %swap3A_283], %select_n3A_280 {strides = array<i32>} : memref<16x512xf32, #tpu.memory_space<vmem>>, vector<16xf32>,
      %add3A_285 = arith.constant 1 : i32
      %add3A_286 = arith.addi %select_n3A_267, %add3A_285 : i32
      %parallel_loop3A_287 = arith.constant 32 : i32
      %parallel_loop3A_288 = arith.constant 1 : i32
      scf.for %parallel_loop3A_289 = %add3A_286 to %parallel_loop3A_287 step %parallel_loop3A_288  : i32 {
        %parallel_loop3A_290 = arith.constant 16 : i32
        %parallel_loop3A_291 = arith.muli %parallel_loop3A_289, %parallel_loop3A_290 : i32
        %parallel_loop3A_292 = vector.broadcast %parallel_loop3A_291 : i32 to vector<16xi32>
        %parallel_loop3A_293 = arith.addi %parallel_loop3A_292, %iota3A : vector<16xi32>
        %parallel_loop3A_294 = vector.broadcast %sub3A_243 : i32 to vector<16xi32>
        %parallel_loop3A_295 = arith.addi %parallel_loop3A_294, %parallel_loop3A_293 : vector<16xi32>
        %parallel_loop3A_296 = tpu.vector_load_idx %arg5[%parallel_loop3A_295] : memref<4096xf32, #tpu.memory_space<vmem>>[vector<16xi32>], vector<16xf32>,
        %parallel_loop3A_297 = arith.constant 16 : i32
        %parallel_loop3A_298 = arith.muli %parallel_loop3A_289, %parallel_loop3A_297 : i32
        %parallel_loop3A_299 = arith.index_cast %scan3A_168 : i32 to index
        %parallel_loop3A_300 = arith.index_cast %parallel_loop3A_298 : i32 to index
        %parallel_loop3A_301 = tpu.vector_load %arg7[%parallel_loop3A_299, %parallel_loop3A_300] {strides = array<i32>} : memref<16x512xf32, #tpu.memory_space<vmem>>, vector<16xf32>,
        tpu.vector_store %arg7[%parallel_loop3A_299, %parallel_loop3A_300], %parallel_loop3A_296 {strides = array<i32>} : memref<16x512xf32, #tpu.memory_space<vmem>>, vector<16xf32>,
      } {sc.loop_unroll_factor = 8 : i64, sc.parallel_access}
    }
    %scan3A_167 = arith.constant 16 : i32
    "tpu.region"() ({
      %run_scoped3A = tpu.sem_alloc : memref<!tpu.dma_semaphore, #tpu.memory_space<semaphore_mem>>
      %dma_start3A_168 = arith.constant 0 : i32
      %dma_start3A_169 = tpu.memref_slice %arg3[%sub3A_7, %dma_start3A_168] : memref<1024x512xf32, #tpu.memory_space<hbm>> -> memref<16x512xf32, #tpu.memory_space<hbm>>
      %dma_start3A_170 = arith.constant 0 : i32
      %dma_start3A_171 = tpu.memref_slice %arg3[%sub3A_7, %dma_start3A_170] : memref<1024x512xf32, #tpu.memory_space<hbm>> -> memref<16x512xf32, #tpu.memory_space<hbm>>
      tpu.enqueue_dma source(%arg7 : memref<16x512xf32, #tpu.memory_space<vmem>>) target(%dma_start3A_171 : memref<16x512xf32, #tpu.memory_space<hbm>>) target_semaphore(%run_scoped3A : memref<!tpu.dma_semaphore, #tpu.memory_space<semaphore_mem>>)
      %dma_wait3A_172 = arith.constant 0 : i32
      %dma_wait3A_173 = tpu.memref_slice %arg3[%sub3A_7, %dma_wait3A_172] : memref<1024x512xf32, #tpu.memory_space<hbm>> -> memref<16x512xf32, #tpu.memory_space<hbm>>
      %dma_wait3A_174 = arith.constant 0 : i32
      %dma_wait3A_175 = tpu.memref_slice %arg3[%sub3A_7, %dma_wait3A_174] : memref<1024x512xf32, #tpu.memory_space<hbm>> -> memref<16x512xf32, #tpu.memory_space<hbm>>
      tpu.wait_dma2 semaphore(%run_scoped3A : memref<!tpu.dma_semaphore, #tpu.memory_space<semaphore_mem>>) src(%arg7 : memref<16x512xf32, #tpu.memory_space<vmem>>) dst(%dma_wait3A_175 : memref<16x512xf32, #tpu.memory_space<hbm>>)
      tpu.yield
    }) : () -> ()
    return
  }
}

module attributes {stable_mosaic.version = 14 : i64} {
  func.func @_mm_body(%arg0: i32, %arg1: memref<1024x512xf32, #tpu.memory_space<vmem>>, %arg2: memref<512x768xbf16, #tpu.memory_space<vmem>>, %arg3: memref<384x1024xbf16, #tpu.memory_space<vmem>>, %arg4: memref<384x768xf32, #tpu.memory_space<vmem>>, %arg5: memref<1024x768xbf16, #tpu.memory_space<vmem>>) attributes {dimension_semantics = [#tpu.dimension_semantics<arbitrary>], iteration_bounds = array<i64: 4>, scalar_prefetch = 0 : i64, scratch_operands = 1 : i64, tpu.core_type = #tpu.core_type<tc>, window_params = [{pipeline_mode = #tpu.pipeline_mode<synchronous>, transform_indices = @transform_0, window_bounds = array<i64: 1024, 512>}, {pipeline_mode = #tpu.pipeline_mode<synchronous>, transform_indices = @transform_1, window_bounds = array<i64: 512, 768>}, {transform_indices = @transform_2, window_bounds = array<i64: 384, 1024>}, {transform_indices = @transform_3, window_bounds = array<i64: 384, 768>}]} {
    %eq3A = arith.constant 0 : i32
    %eq3A_0 = arith.cmpi eq, %arg0, %eq3A : i32
    %convert_element_type3A = arith.extui %eq3A_0 : i1 to i32
    %cond3A = arith.constant 0 : i32
    %cond3A_1 = arith.cmpi ne, %convert_element_type3A, %cond3A : i32
    scf.if %cond3A_1 {
      %get3A_10 = arith.constant 0 : index
      %get3A_11 = arith.constant 0 : index
      %get3A_12 = vector.load %arg1[%get3A_10, %get3A_11] : memref<1024x512xf32, #tpu.memory_space<vmem>>, vector<1024x512xf32>
      %convert_element_type3A_13 = arith.truncf %get3A_12 : vector<1024x512xf32> to vector<1024x512xbf16>
      %get3A_14 = arith.constant 0 : index
      %get3A_15 = arith.constant 0 : index
      %get3A_16 = vector.load %arg2[%get3A_14, %get3A_15] : memref<512x768xbf16, #tpu.memory_space<vmem>>, vector<512x768xbf16>
      %dot_general3A_17 = arith.constant dense<0.000000e+00> : vector<1024x768xf32>
      %dot_general3A_18 = tpu.matmul %convert_element_type3A_13, %get3A_16, %dot_general3A_17 {dimension_numbers = #tpu.dot_dimension_numbers<[1], [0], [0], [1], [0, 0, 1, 1], [], []>, transpose_lhs_hint = false} : vector<1024x512xbf16>, vector<512x768xbf16>, vector<1024x768xf32> -> vector<1024x768xf32>
      %convert_element_type3A_19 = arith.truncf %dot_general3A_18 : vector<1024x768xf32> to vector<1024x768xbf16>
      %swap3A_20 = arith.constant 0 : index
      %swap3A_21 = arith.constant 0 : index
      %swap3A_22 = vector.load %arg5[%swap3A_20, %swap3A_21] : memref<1024x768xbf16, #tpu.memory_space<vmem>>, vector<1024x768xbf16>
      tpu.vector_store %arg5[%swap3A_20, %swap3A_21], %convert_element_type3A_19 {strides = array<i32>} : memref<1024x768xbf16, #tpu.memory_space<vmem>>, vector<1024x768xbf16>,
    } else {
    }
    %get3A = arith.constant 0 : index
    %get3A_2 = arith.constant 0 : index
    %get3A_3 = vector.load %arg3[%get3A, %get3A_2] : memref<384x1024xbf16, #tpu.memory_space<vmem>>, vector<384x1024xbf16>
    %get3A_4 = arith.constant 0 : index
    %get3A_5 = arith.constant 0 : index
    %get3A_6 = vector.load %arg5[%get3A_4, %get3A_5] : memref<1024x768xbf16, #tpu.memory_space<vmem>>, vector<1024x768xbf16>
    %dot_general3A = arith.constant dense<0.000000e+00> : vector<384x768xf32>
    %dot_general3A_7 = tpu.matmul %get3A_3, %get3A_6, %dot_general3A {dimension_numbers = #tpu.dot_dimension_numbers<[1], [0], [0], [1], [0, 0, 1, 1], [], []>, transpose_lhs_hint = false} : vector<384x1024xbf16>, vector<1024x768xbf16>, vector<384x768xf32> -> vector<384x768xf32>
    %swap3A = arith.constant 0 : index
    %swap3A_8 = arith.constant 0 : index
    %swap3A_9 = vector.load %arg4[%swap3A, %swap3A_8] : memref<384x768xf32, #tpu.memory_space<vmem>>, vector<384x768xf32>
    tpu.vector_store %arg4[%swap3A, %swap3A_8], %dot_general3A_7 {strides = array<i32>} : memref<384x768xf32, #tpu.memory_space<vmem>>, vector<384x768xf32>,
    return
  }
  func.func @transform_0(%arg0: i32) -> (i32, i32) {
    %c0_i32 = arith.constant 0 : i32
    %c0_i32_0 = arith.constant 0 : i32
    %c0_i32_1 = arith.constant 0 : i32
    return %c0_i32, %c0_i32_0 : i32, i32
  }
  func.func @transform_1(%arg0: i32) -> (i32, i32) {
    %c0_i32 = arith.constant 0 : i32
    %c0_i32_0 = arith.constant 0 : i32
    %c0_i32_1 = arith.constant 0 : i32
    return %c0_i32, %c0_i32_0 : i32, i32
  }
  func.func @transform_2(%arg0: i32) -> (i32, i32) {
    %c0_i32 = arith.constant 0 : i32
    %c0_i32_0 = arith.constant 0 : i32
    return %arg0, %c0_i32 : i32, i32
  }
  func.func @transform_3(%arg0: i32) -> (i32, i32) {
    %c0_i32 = arith.constant 0 : i32
    %c0_i32_0 = arith.constant 0 : i32
    return %arg0, %c0_i32 : i32, i32
  }
}

</mosaic_0001>

<sc_bundles>
// kernel: kernel.4.cloned.1.call-start
scs
__scs_entry_jumppad:
0x0: {  	(pc) =	sbr.rel $0x88, $3  }
0x1: {  	(tag) =	ssettag $0x0;
	lr =	simm.s32 $0x1  }
0x2: {  	[smem:$0x3F9E] =	sst lr;
	_ =	strace $0xD0000000  }
0x3: {  	_ = 	snop  }
0x4: {  	_ = 	snop  }
0x5: {  	_ = 	snop  }
0x6: {  	_ = 	snop  }
0x7: {  	_ = 	snop  }
__scs_overlays_trampoline_lowered:
0x8: {  	[smem:$0x3FAD] =	sst s0  }
0x9: {  	[smem:$0x3FAE] =	sst s1  }
0xa: {  	[smem:$0x3FAF] =	sst s2  }
0xb: {  	[smem:$0x3FB0] =	sst s3  }
0xc: {  	[smem:$0x3FB1] =	sst s4  }
0xd: {  	[smem:$0x3FB2] =	sst s5  }
0xe: {  	[smem:$0x3FB3] =	sst s6  }
0xf: {  	[smem:$0x3FB4] =	sst s7  }
0x10: {  	[smem:$0x3FB5] =	sst s8  }
0x11: {  	[smem:$0x3FB6] =	sst s9;
	s0 =	simm.s32 @!p0 $0x0  }
0x12: {  	s1 =	sld [smem:$0x3F9C];
	s0 =	simm.s32 @p0 $0x1  }
0x13: {  	[smem:$0x3FB7] =	sst s0;
	s0 =	simm.s32 @!p1 $0x0  }
0x14: {  	s2 =	sld [smem:$0x3F9B];
	s0 =	simm.s32 @p1 $0x1  }
0x15: {  	[smem:$0x3FB8] =	sst s0;
	s0 =	simm.s32 @!p2 $0x0  }
0x16: {  	s3 =	sld [smem:$0x3FDB];
	s0 =	simm.s32 @p2 $0x1  }
0x17: {  	s4 =	simm.s32 $0x1BF5;
	[smem:$0x3FBA] =	sst s0  }
0x18: {  	s0 =	sld [smem:$0x3F9D];
	_ =	swait.ge [sflag:s4], $0x0  }
0x19: {  	s7 =	sld [smem:$0x3F9E]  }
0x1a: {  	s8 =	sadd.s32 $0xFFFFE003, lr  }
0x1b: {  	s9 =	sadd.s32 $0xFFFFFEF7, lr;
	s5 =	simm.s32 $0xFFFFFFFF;
	p2 =	slt.u32 s8, $0xFFFFF086  }
0x1c: {  	p1 =	slt.u32 s9, $0xF7A;
	s5 =	simm.s32 @!p2 $0x0  }
0x1d: {  	s5 =	simm.s32 @p1 $0x1;
	p0 =	seq.s32 s7, s2  }
0x1e: {  	s7 =	smul.u32 @!p0 $0xF7A, s2;
	p2 =	seq.s32 @!p0 s5, $0x0  }
0x1f: {  	s9 =	smul.u32 $0xF7A, s1;
	s8 =	simm.s32 @!p0 $0x1BF5;
	p2 =	por !p2, p0  }
0x20: {  	[sflag:s8] =	ssyncset.s32 @!p0 $0xFFFFF086;
	s6 =	sadd.s32 @!p0 s3, s7;
	s7 =	simm.s32 @!p0 $0x108  }
0x21: {  	s3 =	sadd.s32 s3, s9;
	s6 =	sadd.s32 @!p0 $0x88, s6;
	s7 =	simm.s32 @p2 $0x1082  }
0x22: {  	[simem:s7], [sflag:s8] =	dma.local @!p0 [hbm:s6], $0xF7A  }
0x23: {  	s9 =	sor.u32 $0xD0000000, s2;
	s6 =	simm.s32 $0x108;
	_ =	swait.ge @!p0 [sflag:s8], $0x0  }
0x24: {  	s3 =	sadd.s32 $0x88, s3;
	s6 =	simm.s32 @!p1 $0x1082;
	[sflag:s4] =	ssyncset.s32 $0xFFFFF086  }
0x25: {  	[simem:s6], [sflag:s4] =	dma.local [hbm:s3], $0xF7A  }
0x26: {  	[smem:$0x3F9E] =	sst s1;
	(tag) =	ssettag s2;
	_ =	strace s9  }
0x27: {  	s1 =	sld [smem:$0x3FAE]  }
0x28: {  	s2 =	sld [smem:$0x3FAF]  }
0x29: {  	s4 =	sld [smem:$0x3FB1]  }
0x2a: {  	p0 =	seq.s32 s5, $0x0;
	s5 =	sld [smem:$0x3FB2]  }
0x2b: {  	s6 =	sld [smem:$0x3FB3]  }
0x2c: {  	s7 =	sld [smem:$0x3FB4]  }
0x2d: {  	s3 =	simm.s32 $0x108;
	s8 =	sld [smem:$0x3FB5]  }
0x2e: {  	s3 =	simm.s32 @!p0 $0x1082;
	s9 =	sld [smem:$0x3FB6]  }
0x2f: {  	lr =	sadd.s32 s0, s3;
	s0 =	sld [smem:$0x3FAD]  }
0x30: {  	s3 =	sld [smem:$0x3FB0]  }
0x31: {  	[smem:$0x3FB9] =	sst s10  }
0x32: {  	s10 =	sld [smem:$0x3FB7];
	_ =	sdelay $0x3  }
0x33: {  	p0 =	seq.s32 s10, $0x1;
	s10 =	sld [smem:$0x3FB9];
	_ =	sdelay $0x3  }
0x34: {  	[smem:$0x3FB9] =	sst s10  }
0x35: {  	s10 =	sld [smem:$0x3FB8];
	_ =	sdelay $0x3  }
0x36: {  	p1 =	seq.s32 s10, $0x1;
	s10 =	sld [smem:$0x3FB9];
	_ =	sdelay $0x3  }
0x37: {  	[smem:$0x3FB9] =	sst s10  }
0x38: {  	s10 =	sld [smem:$0x3FBA]  }
0x39: {  	_ = 	snop;
	(pc) =	sbr.ind lr, $3  }
0x3a: {  	_ = 	snop  }
0x3b: {  	_ = 	snop  }
0x3c: {  	p2 =	seq.s32 s10, $0x1;
	s10 =	sld [smem:$0x3FB9]  }
0x3d: {  	_ =	shalt  }
0x3e: {  	_ =	shalt  }
0x3f: {  	_ =	shalt  }
0x40: {  	_ =	shalt  }
0x41: {  	_ =	shalt  }
0x42: {  	_ =	shalt  }
0x43: {  	_ =	shalt  }
0x44: {  	_ =	shalt  }
0x45: {  	_ =	shalt  }
0x46: {  	_ =	shalt  }
0x47: {  	_ =	shalt  }
0x48: {  	_ =	shalt  }
0x49: {  	_ =	shalt  }
0x4a: {  	_ =	shalt  }
0x4b: {  	_ =	shalt  }
0x4c: {  	_ =	shalt  }
0x4d: {  	_ =	shalt  }
0x4e: {  	_ =	shalt  }
0x4f: {  	_ =	shalt  }
0x50: {  	_ =	shalt  }
0x51: {  	_ =	shalt  }
0x52: {  	_ =	shalt  }
0x53: {  	_ =	shalt  }
0x54: {  	_ =	shalt  }
0x55: {  	_ =	shalt  }
0x56: {  	_ =	shalt  }
0x57: {  	_ =	shalt  }
0x58: {  	_ =	shalt  }
0x59: {  	_ =	shalt  }
0x5a: {  	_ =	shalt  }
0x5b: {  	_ =	shalt  }
0x5c: {  	_ =	shalt  }
0x5d: {  	_ =	shalt  }
0x5e: {  	_ =	shalt  }
0x5f: {  	_ =	shalt  }
0x60: {  	_ =	shalt  }
0x61: {  	_ =	shalt  }
0x62: {  	_ =	shalt  }
0x63: {  	_ =	shalt  }
0x64: {  	_ =	shalt  }
0x65: {  	_ =	shalt  }
0x66: {  	_ =	shalt  }
0x67: {  	_ =	shalt  }
0x68: {  	_ =	shalt  }
0x69: {  	_ =	shalt  }
0x6a: {  	_ =	shalt  }
0x6b: {  	_ =	shalt  }
0x6c: {  	_ =	shalt  }
0x6d: {  	_ =	shalt  }
0x6e: {  	_ =	shalt  }
0x6f: {  	_ =	shalt  }
0x70: {  	_ =	shalt  }
0x71: {  	_ =	shalt  }
0x72: {  	_ =	shalt  }
0x73: {  	_ =	shalt  }
0x74: {  	_ =	shalt  }
0x75: {  	_ =	shalt  }
0x76: {  	_ =	shalt  }
0x77: {  	_ =	shalt  }
0x78: {  	_ =	shalt  }
0x79: {  	_ =	shalt  }
0x7a: {  	_ =	shalt  }
0x7b: {  	_ =	shalt  }
0x7c: {  	_ =	shalt  }
0x7d: {  	_ =	shalt  }
0x7e: {  	_ =	shalt  }
0x7f: {  	_ =	shalt  }
0x80: {  	_ =	shalt  }
0x81: {  	_ =	shalt  }
0x82: {  	_ =	shalt  }
0x83: {  	_ =	shalt  }
0x84: {  	_ =	shalt  }
0x85: {  	_ =	shalt  }
0x86: {  	_ =	shalt  }
0x87: {  	_ =	shalt  }
.Lfunc_end0:
.L_simem_size_0:
called_computation_lowered:
.L_overlay_start_0:
0x88: {  	s2 =	sld [smem:$0x3FD9]  }
0x89: {  	s3 =	sld [smem:$0x3FFE];
	_ =	sdelay $0x1  }
0x8a: {  	s1 =	srdreg.scid  }
0x8b: {  	s0 =	sand.u32 $0x1, s1  }
0x8c: {  	s18 =	sshll.u32 s0, $0xA;
	s2 =	sadd.s32 s3, s2  }
0x8d: {  	s2 =	sadd.s32 s2, s18  }
0x8e: {  	[smem:$0x3FC5] =	sst s2  }
0x8f: {  	_ = 	snop  }
0x90: {  	s2 =	sld [smem:$0x3FC9]  }
0x91: {  	s19 =	sld [smem:$0x3FD0];
	(tm) =	ssettm $0x1  }
0x92: {  	s4 =	sld [smem:$0x3FFB];
	_ =	sdelay $0x3  }
0x93: {  	_ =	strace s4  }
0x94: {  	s4 =	sld [smem:$0x3FFC];
	_ =	sdelay $0x3  }
0x95: {  	_ =	strace s4  }
0x96: {  	s4 =	sld [smem:$0x3FFD];
	_ =	sdelay $0x3  }
0x97: {  	_ =	strace s4  }
0x98: {  	_ =	strace $0x8FFFFFFF  }
0x99: {  	s20 =	sld [smem:$0x3FDB];
	_ =	sdelay $0x1  }
0x9a: {  	s5 =	simm.s32 $_scs_section_size  }
0x9b: {  	s6 =	simm.s32 $_size__tile_overlayer_lowered;
	s7 =	simm.s32 $_tile_overlayer_lowered  }
0x9c: {  	s23 =	simm.s32 $0x1BFF;
	s22 =	sshll.u32 s7, $0x1;
	s4 =	sadd.s32 s5, s20  }
0x9d: {  	s8 =	simm.s32 $0x0;
	s21 =	sshll.u32 s6, $0x1;
	s6 =	sadd.s32 s22, s4  }
0x9e: {  	[timem:s8], [sflag:s23] =	dma.local [hbm:s6], s21  }
0x9f: {  	_ =	swait.ge [sflag:s23], s21  }
0xa0: {  	s5 =	ssub.s32 $0x0, s21;
	[sflag:s23] =	ssyncset.done $0x0  }
0xa1: {  	[sflag:s23] =	ssyncadd.s32 s5;
	_ =	sdelay $0x1  }
0xa2: {  	s24 =	simm.s32 $0x1B8B  }
0xa3: {  	_ =	swait.ge [sflag:s24], $0x1  }
0xa4: {  	[sflag:s24] =	ssyncset.done $0x0  }
0xa5: {  	s25 =	simm.s32 $0x1B8E;
	[sflag:s24] =	ssyncadd.s32 $0xFFFFFFFF  }
0xa6: {  	s26 =	simm.s32 $execute0_lowered;
	[smem:$0x3FD2] =	sst s25  }
0xa7: {  	s5 =	sshll.u32 s26, $0x1;
	_ =	strace $0x80000046;
	[dreg:$0x1] =	wrdreg $0xFFFFFFFF  }
0xa8: {  	s28 =	simm.s32 $_size_execute0_lowered;
	s4 =	sadd.s32 s4, s5;
	[dreg:$0x0] =	wrdreg $0x0  }
0xa9: {  	s5 =	sshll.u32 s28, $0x1;
	[dreg:$0x2] =	wrdreg s4  }
0xaa: {  	[dreg:$0x3] =	wrdreg s5  }
0xab: {  	[dreg:$0x4] =	wrdreg $0xC0  }
0xac: {  	_ =	task [dreg:s8], $0x5FFFF  }
0xad: {  	[dreg:$0x1] =	wrdreg $0xFFFFFFFF  }
0xae: {  	[dreg:$0x0] =	wrdreg $0x60  }
0xaf: {  	[dreg:$0x2] =	wrdreg s2  }
0xb0: {  	[dreg:$0x3] =	wrdreg s19  }
0xb1: {  	[dreg:$0x4] =	wrdreg $0x9  }
0xb2: {  	_ =	task.clear_ibuf [dreg:s8], $0x5FFFF;
	_ =	strace $0x90000046  }
0xb3: {  	s29 =	simm.s32 $0x9;
	_ =	strace $0x80000048  }
0xb4: {  	_ =	swait.ge [sflag:s29], $0x1  }
0xb5: {  	[sflag:s29] =	ssyncadd.s32 $0xFFFFFFFF  }
0xb6: {  	_ =	strace $0x90000048  }
0xb7: {  	_ =	sfence  }
0xb8: {  	s30 =	sld [smem:$0x0];
	_ =	sdelay $0x2  }
0xb9: {  	s31 =	sshll.u32 s1, $0xD;
	s1 =	sshrl.u32 s1, $0x2  }
0xba: {  	s3 =	sand.u32 $0x4000, s31;
	s1 =	sadd.s32 s1, s30  }
0xbb: {  	s0 =	sor.u32 s3, s0;
	s1 =	sshll.u32 s1, $0x11  }
0xbc: {  	s0 =	sor.u32 s1, s0  }
0xbd: {  	s0 =	sadd.s32 $0x8F2B, s0  }
0xbe: {  	[sflag:s0] =	ssyncadd.remote.s32 $0x1  }
0xbf: {  	_ =	sfence.sel $0xFFFF  }
0xc0: {  	[dreg:$0x0] =	wrdreg $0xFFFFFFFF;
	(pc) =	sbr.abs _section_cstart, $3  }
0xc1: {  	[dreg:$0x1] =	wrdreg $0xFFFFFFFF  }
0xc2: {  	_ =	task.clear_ibuf [dreg:s8], $0x2FFFF;
	_ =	strace $0x9FFFFFFF  }
0xc3: {  	(tm) =	ssettm $0x7FFFFFFF  }
tec
execute0_lowered:
.L_overlay_start_1:
0x0: {  	(tag) =	ssettag $0x1  }
0x1: {  	s0 =	srdreg.scid;
	s2 =	rddreg [dreg:$0x0]  }
0x2: {  	s11 =	stileid.u32;
	s3 =	rddreg [dreg:$0x1];
	s4 =	simm.s32 $0x0  }
0x3: {  	s0 =	sand.u32 $0x1, s0;
	s1 =	sshll.u32 s11, $0x1;
	[smem:$0x7FF] =	sst s4  }
0x4: {  	s10 =	sadd.s32 $0x3FEA, s11;
	s17 =	sshll.u32 s11, $0x5;
	p1 =	sgt.u32 s11, $0x7  }
0x5: {  	s1 =	sor.u32 s0, s1;
	_ =	strace $0x80000047;
	s9 =	ssub.s32 $0x2, s0  }
0x6: {  	s0 =	sshll.u32 s0, $0x4;
	s15 =	sshll.u32 s1, $0x4;
	s5 =	sshll.u32 s1, $0x3  }
0x7: {  	s28 =	sshll.u32 s1, $0xD;
	s31 =	sshrl.u32 s9, $0x1;
	s1 =	sshll.u32 s1, $0xA  }
0x8: {  	s0 =	sor.u32 s17, s0;
	s30 =	sxor.u32 $0x3F0, s15;
	s6 =	sadd.s32 $0xFFFFFFFF, s5  }
0x9: {  	s1 =	sadd.s32 s3, s1;
	s0 =	sxor.u32 $0x3F0, s0;
	[dreg:$0x5] =	wrdreg s15  }
0xa: {  	s7 =	sshrl.u32 s30, $0x1;
	s5 =	smul.u32 s5, s6;
	s8 =	sshll.u32 s30, $0x9  }
0xb: {  	[dreg:$0xb] =	wrdreg s1;
	s10 =	sshrl.u32 s30, $0x5;
	s12 =	sshll.u32 s30, $0x6  }
0xc: {  	s18 =	sand.u32 $0x60, s30;
	s20 =	sshll.u32 s30, $0x2;
	s22 =	sshrl.u32 s0, $0x7  }
0xd: {  	s0 =	sshrl.u32 s0, $0x5;
	[dreg:$0x6] =	wrdreg s30;
	s26 =	sadd.s32 $0xFFFFFFFF, s7  }
0xe: {  	s1 =	sadd.s32 s3, s12;
	s14 =	sshll.u32 s10, $0x4;
	s21 =	sor.u32 $0xFFFFFFE7, s10  }
0xf: {  	s23 =	sadd.s32 $0x1, s10;
	s24 =	sshll.u32 s22, $0x9;
	[dreg:$0xc] =	wrdreg s1  }
0x10: {  	s25 =	sshll.u32 s0, $0x7;
	s6 =	smul.u32 s7, s26;
	[dreg:$0x10] =	wrdreg s23  }
0x11: {  	s7 =	ssub.s32 s28, s5;
	s19 =	sand.u32 $0x70, s14;
	[dreg:$0x11] =	wrdreg s24  }
0x12: {  	s26 =	sxor.u32 $0xFFFFFFFF, s21;
	s28 =	sshll.u32 s21, $0x7;
	[dreg:$0x7] =	wrdreg s7  }
0x13: {  	s7 =	sshrl.u32 s7, $0x3;
	[dreg:$0xe] =	wrdreg s19;
	s3 =	ssub.s32 s25, s28  }
0x14: {  	s29 =	ssub.s32 s8, s6;
	s5 =	sadd.s32 s2, s7;
	[dreg:$0x14] =	wrdreg s3  }
0x15: {  	s6 =	ssub.s32 s9, s31;
	s8 =	smin.u32 s29, $0x3F200;
	[dreg:$0x9] =	wrdreg s5  }
0x16: {  	s13 =	smax.u32 s6, $0x1;
	s6 =	sadd.s32 s0, s26;
	[dreg:$0x8] =	wrdreg s8  }
0x17: {  	s0 =	sshll.u32 s0, $0x4;
	s29 =	sshll.u32 s21, $0x4;
	[dreg:$0xd] =	wrdreg s13  }
0x18: {  	p0 =	sne.s32 s18, $0x0;
	[dreg:$0x13] =	wrdreg s6;
	s31 =	ssub.s32 s0, s29  }
0x19: {  	s9 =	sshrl.u32 s8, $0x3;
	s0 =	sadd.s32 $0x80, s0;
	[dreg:$0x16] =	wrdreg s31  }
.Ltmp0:
0x1a: {  	s2 =	sadd.s32 s2, s9;
	[dreg:$0x17] =	wrdreg s0;
	(pc) =	sbr.rel .LBB2_1-.Ltmp0, $4  }
0x1b: {  	s16 =	ssub.s32 s10, s21;
	[dreg:$0xa] =	wrdreg s2;
	s2 =	sand.u32 $0xC00, s20  }
0x1c: {  	p2 =	sgt.u32 s16, $0x1F;
	[dreg:$0xf] =	wrdreg s2;
	s2 =	sshll.u32 s22, $0x6  }
0x1d: {  	v0 =	vlaneseq.u32;
	s13 =	sand.u32 $0x1C, s10;
	[dreg:$0x12] =	wrdreg s2;
	s2 =	sadd.s32 $0x400, s25  }
0x1e: {  	v2 =	vimm.f32 $0.0e+00;
	v1 =	vor.u32 s14, v0;
	s25 =	simm.s32 $0x2000;
	[dreg:$0x15] =	wrdreg s2;
	s2 =	simm.s32 $0x0  }
.LBB2_23:
0x1f: {  	s0 =	rddreg [dreg:$0xc];
	s1 =	simm.s32 $0x5000;
	s29 =	simm.s32 $0x3  }
0x20: {  	[hbm4b:s0+s4] =	stream.linear.scatter [tilespmem:s1], [sflag:$0x3], $0x2000, $0x38;
	[tilespmem:$0x7000] =	vst v63  }
0x21: {  	_ =	swait.ge [sflag:s29], $0x2000  }
0x22: {  	s2 =	rddreg [dreg:$0x18]  }
0x23: {  	s31 =	rddreg [dreg:$0xd];
	s2 =	sadd.s32 $0x1, s2  }
0x24: {  	p3 =	sne.s32 s2, s31  }
.Ltmp1:
0x25: {  	_ = 	snop;
	(pc) =	sbr.rel @!p3 .LBB2_24-.Ltmp1, $3  }
0x26: {  	_ =	sdelay $0x1  }
0x27: {  	[sflag:s29] =	ssyncset.done $0x0  }
0x28: {  	s15 =	rddreg [dreg:$0x5];
	[sflag:s29] =	ssyncadd.s32 $0xFFFFE000  }
.LBB2_1:
0x29: {  	s0 =	rddreg [dreg:$0x9]  }
0x2a: {  	[dreg:$0x18] =	wrdreg s2  }
0x2b: {  	s1 =	rddreg [dreg:$0xa]  }
0x2c: {  	[tilespmem:s4], [sflag:$0x1] =	stream.linear.gather [hbm4b:s0+s4], $0x2000, $0x38;
	[tilespmem:$0x7000] =	vst v63  }
.Ltmp2:
0x2d: {  	s31 =	simm.s32 $0x1;
	s0 =	simm.s32 $0x0;
	(pc) =	sbr.rel .LBB2_2-.Ltmp2, $4  }
0x2e: {  	[tilespmem:s25], [sflag:$0x2] =	stream.linear.gather [hbm4b:s1+s0], $0x1000, $0x38;
	[tilespmem:$0x7000] =	vst v63  }
0x2f: {  	s29 =	sld [smem:$0x7FF];
	_ =	swait.ge [sflag:s31], $0x2000  }
0x30: {  	[sflag:s31] =	ssyncset.done $0x0  }
0x31: {  	[sflag:s31] =	ssyncadd.s32 $0xFFFFE000  }
.LBB2_14:
0x32: {  	s0 =	sadd.s32 $0x1, s0  }
0x33: {  	p3 =	sne.s32 s0, $0x10  }
.Ltmp3:
0x34: {  	_ = 	snop;
	(pc) =	sbr.rel @!p3 .LBB2_15-.Ltmp3, $1  }
0x35: {  	_ =	sdelay $0x3  }
.LBB2_2:
0x36: {  	s3 =	sor.u32 s15, s0;
	s1 =	sand.u32 $0x1, s0  }
0x37: {  	p3 =	seq.s32 s3, $0x0;
	p4 =	seq.s32 s1, $0x1  }
0x38: {  	p3 =	por !p3, !p4  }
0x39: {  	s1 =	simm.s32 $0x1;
	p3 =	por !p3, !p3  }
0x3a: {  	s2 =	sshrl.u32 s3, $0x1;
	s1 =	simm.s32 @!p3 $0x0  }
0x3b: {  	s1 =	ssub.s32 s2, s1  }
0x3c: {  	s2 =	sand.u32 $0xF, s1  }
0x3d: {  	s5 =	sshra.s32 s1, $0x1F;
	p6 =	slt.s32 s1, $0x1;
	p5 =	sne.s32 s2, $0x0  }
0x3e: {  	s28 =	sshrl.u32 s5, $0x1C;
	p3 =	por !p6, !p5  }
0x3f: {  	s5 =	simm.s32 $0x1;
	s2 =	sadd.s32 s28, s1;
	p3 =	por !p3, !p3  }
0x40: {  	s17 =	sshra.s32 s2, $0x4;
	s5 =	simm.s32 @!p3 $0x0  }
0x41: {  	s2 =	ssub.s32 s17, s5  }
0x42: {  	s5 =	sshrl.u32 s2, $0x1E  }
0x43: {  	s5 =	sadd.s32 s5, s2  }
0x44: {  	s7 =	sand.u32 $0xFFFFFFFC, s5  }
0x45: {  	p5 =	slt.s32 s7, $0x1  }
.Ltmp4:
0x46: {  	_ = 	snop;
	(pc) =	sbr.rel @p5 .LBB2_6-.Ltmp4, $3  }
0x47: {  	_ =	sdelay $0x1  }
0x48: {  	s29 =	sshll.u32 s0, $0x9;
	s6 =	sshll.u32 s0, $0x7  }
0x49: {  	s8 =	sand.u32 $0x1000, s29;
	s31 =	sand.u32 $0x380, s6  }
0x4a: {  	p5 =	sgt.s32 s7, $0x4  }
.Ltmp5:
0x4b: {  	_ = 	snop;
	(pc) =	sbr.rel @!p5 .LBB2_5-.Ltmp5, $4  }
0x4c: {  	s6 =	simm.s32 $0x0;
	v3 =	vmov s31  }
0x4d: {  	s5 =	sadd.s32 $0x3000, s8;
	s9 =	sand.u32 $0xFFFFFC00, s6  }
0x4e: {  	s11 =	sand.u32 $0x40, s6;
	s12 =	sadd.s32 s9, s5  }
0x4f: {  	s9 =	simm.s32 $0x4;
	s11 =	sadd.s32 s11, s12;
	s12 =	simm.s32 $0x0  }
.LBB2_4:
0x50: {  	s9 =	sadd.s32 $0x4, s9  }
0x51: {  	[tilespmem:v3+s11+$0x30 ss:$0x1] =	vst.idx.msk $0xffff, v2;
	s6 =	sadd.s32 $0x200, s6;
	s12 =	sadd.s32 $0x40, s12;
	p5 =	slt.s32 s9, s7  }
.Ltmp6:
0x52: {  	[tilespmem:v3+s11+$0x20 ss:$0x1] =	vst.idx.msk $0xffff, v2;
	(pc) =	sbr.rel @p5 .LBB2_4-.Ltmp6, $4  }
0x53: {  	[tilespmem:v3+s11+$0x0 ss:$0x1] =	vst.idx.msk $0xffff, v2  }
0x54: {  	s14 =	sand.u32 $0xFFFFFC00, s6;
	[tilespmem:v3+s11+$0x10 ss:$0x1] =	vst.idx.msk $0xffff, v2  }
0x55: {  	s14 =	sadd.s32 s14, s5;
	s11 =	sand.u32 $0x40, s12  }
0x56: {  	s11 =	sadd.s32 s11, s14  }
.LBB2_5:
0x57: {  	_ =	sdelay $0x3  }
0x58: {  	[tilespmem:v3+s11+$0x30 ss:$0x1] =	vst.idx.msk $0xffff, v2  }
0x59: {  	[tilespmem:v3+s11+$0x20 ss:$0x1] =	vst.idx.msk $0xffff, v2  }
0x5a: {  	[tilespmem:v3+s11+$0x0 ss:$0x1] =	vst.idx.msk $0xffff, v2  }
0x5b: {  	[tilespmem:v3+s11+$0x10 ss:$0x1] =	vst.idx.msk $0xffff, v2  }
.LBB2_6:
0x5c: {  	s5 =	ssub.s32 s2, s7  }
0x5d: {  	p5 =	sgt.s32 s5, $0x0  }
.Ltmp7:
0x5e: {  	_ = 	snop;
	(pc) =	sbr.rel @!p5 .LBB2_7-.Ltmp7, $1  }
0x5f: {  	_ =	sdelay $0x3  }
0x60: {  	s5 =	sadd.s32 s31, s8  }
0x61: {  	s6 =	sshll.u32 s7, $0x7;
	s9 =	sshll.u32 s7, $0x4;
	s5 =	sadd.s32 $0x3000, s5  }
.LBB2_26:
0x62: {  	s7 =	sadd.s32 $0x1, s7  }
0x63: {  	p5 =	slt.s32 s7, s2  }
.Ltmp8:
0x64: {  	_ = 	snop;
	(pc) =	sbr.rel @p5 .LBB2_26-.Ltmp8, $4  }
0x65: {  	s11 =	sand.u32 $0xFFFFFC00, s6  }
0x66: {  	s12 =	sand.u32 $0x70, s9;
	s11 =	sadd.s32 s11, s5  }
0x67: {  	s11 =	sadd.s32 s12, s11  }
0x68: {  	s6 =	sadd.s32 $0x80, s6;
	s9 =	sadd.s32 $0x10, s9;
	[tilespmem:s11+$0x0] =	vst v2  }
.LBB2_7:
0x69: {  	s5 =	smov.u32 s1;
	s7 =	rddreg [dreg:$0x7]  }
0x6a: {  	s6 =	ssub.s32 $0x1, s1;
	s5 =	simm.s32 @!p4 $0x0;
	s7 =	sadd.s32 s1, s7  }
0x6b: {  	s3 =	sshll.u32 s3, $0x9;
	s6 =	smul.u32 s1, s6;
	s5 =	sadd.s32 s5, s7  }
0x6c: {  	s26 =	sshll.u32 s2, $0x4;
	s3 =	ssub.s32 s3, s5  }
0x6d: {  	v3 =	vor.u32 s26, v0;
	s7 =	sadd.s32 s6, s3  }
0x6e: {  	v4 =	vadd.s32 s7, v3  }
0x6f: {  	vm0 =	vgt.s32 v4, $0x0  }
0x70: {  	v4 =	vnsel vm0, $0x0, v4;
	_ =	sdelay $0x4  }
0x71: {  	v4 =	vld.idx.msk [tilespmem:v4+s4+$0x0], $0xffff  }
0x72: {  	s28 =	sshll.u32 s2, $0x7;
	p4 =	slt.s32 s2, $0x18  }
.Ltmp9:
0x73: {  	s8 =	sadd.s32 $0x3000, s8;
	s3 =	sand.u32 $0xFFFFFC00, s28;
	(pc) =	sbr.rel @!p4 .LBB2_11-.Ltmp9, $4  }
0x74: {  	s5 =	sand.u32 $0x70, s26;
	s3 =	sadd.s32 s3, s8  }
0x75: {  	s9 =	simm.s32 $0xFFFFFFFF;
	s29 =	ssub.s32 $0x1F, s2;
	vm15 =	vlt.s32 v3, s1;
	s3 =	sadd.s32 s5, s3  }
0x76: {  	s1 =	sadd.s32 $0x1, s2;
	s5 =	sand.u32 $0xFFFFFFF8, s29;
	s3 =	sadd.s32 s31, s3;
	v3 =	vsel vm15, $0x0, v4  }
0x77: {  	s9 =	simm.s32 @!p3 $0x0;
	s12 =	sadd.s32 s1, s5;
	[tilespmem:s3+$0x0] =	vst v3  }
0x78: {  	[dreg:$0x1a] =	wrdreg s5;
	s2 =	sshll.u32 s9, $0x7  }
0x79: {  	s24 =	sshll.u32 s9, $0x4;
	[dreg:$0x4] =	wrdreg s2  }
0x7a: {  	[dreg:$0x3] =	wrdreg s24  }
0x7b: {  	s26 =	sshll.u32 s17, $0x7;
	s30 =	sshll.u32 s17, $0x4;
	s2 =	rddreg [dreg:$0x3]  }
0x7c: {  	[dreg:$0x19] =	wrdreg s17;
	s29 =	sadd.s32 $0x8, s1;
	s28 =	sadd.s32 s30, s2  }
0x7d: {  	p3 =	slt.s32 s29, s12;
	s24 =	rddreg [dreg:$0x4];
	s2 =	sadd.s32 $0x10, s28  }
0x7e: {  	s3 =	sadd.s32 $0x20, s28;
	s5 =	sadd.s32 $0x80, s28;
	s6 =	sadd.s32 $0x30, s28  }
0x7f: {  	s14 =	sadd.s32 $0x40, s28;
	s17 =	sadd.s32 $0x50, s28;
	s18 =	sadd.s32 $0x60, s28  }
0x80: {  	s20 =	sadd.s32 $0x70, s28;
	s15 =	sadd.s32 s7, s5;
	s11 =	sadd.s32 s7, s2  }
0x81: {  	s19 =	sadd.s32 s7, s3;
	s21 =	sadd.s32 s7, s6;
	s23 =	sadd.s32 s7, s14  }
0x82: {  	s22 =	sadd.s32 s7, s18;
	s28 =	sand.u32 $0x70, s2;
	s3 =	sand.u32 $0x70, s3;
	v4 =	vadd.s32 s15, v0  }
0x83: {  	s2 =	sand.u32 $0x70, s14;
	s1 =	sand.u32 $0x70, s17;
	s5 =	sand.u32 $0x70, s5;
	v5 =	vadd.s32 s11, v0  }
0x84: {  	s15 =	sadd.s32 s7, s17;
	s11 =	sadd.s32 s7, s20;
	v6 =	vadd.s32 s19, v0;
	s19 =	sand.u32 $0x70, s6  }
0x85: {  	v7 =	vadd.s32 s21, v0;
	s17 =	sand.u32 $0x70, s18;
	s6 =	sadd.s32 s26, s24;
	s18 =	sand.u32 $0x70, s20  }
0x86: {  	v8 =	vadd.s32 s23, v0;
	s14 =	sadd.s32 $0x80, s6;
	s20 =	sadd.s32 $0x100, s6;
	s24 =	sadd.s32 $0x400, s6  }
0x87: {  	v11 =	vadd.s32 s22, v0;
	v9 =	vadd.s32 s15, v0;
	s15 =	sadd.s32 $0x180, s6;
	s23 =	sadd.s32 $0x200, s6;
	s22 =	sadd.s32 $0x280, s6;
	v10 =	vld.idx.msk [tilespmem:v4+s4+$0x0], $0xffff  }
0x88: {  	s21 =	sand.u32 $0xFFFFFC00, s24;
	s24 =	sadd.s32 $0x300, s6;
	s6 =	sadd.s32 $0x380, s6;
	v4 =	vld.idx.msk [tilespmem:v5+s4+$0x0], $0xffff  }
0x89: {  	v3 =	vmov s31;
	v12 =	vadd.s32 s11, v0;
	s14 =	sand.u32 $0xFFFFFC00, s14;
	s20 =	sand.u32 $0xFFFFFC00, s20;
	s15 =	sand.u32 $0xFFFFFC00, s15;
	v5 =	vld.idx.msk [tilespmem:v6+s4+$0x0], $0xffff  }
.Ltmp10:
0x8a: {  	s22 =	sand.u32 $0xFFFFFC00, s22;
	s21 =	sadd.s32 s21, s8;
	v6 =	vld.idx.msk [tilespmem:v7+s4+$0x0], $0xffff;
	(pc) =	sbr.rel @!p3 .LBB2_10-.Ltmp10, $4  }
0x8b: {  	s11 =	sand.u32 $0xFFFFFC00, s24;
	s24 =	sand.u32 $0xFFFFFC00, s6;
	s15 =	sadd.s32 s15, s8;
	v7 =	vld.idx.msk [tilespmem:v8+s4+$0x0], $0xffff  }
0x8c: {  	s6 =	sadd.s32 s22, s8;
	s5 =	sadd.s32 s5, s21;
	s21 =	sand.u32 $0xFFFFFC00, s23;
	v8 =	vld.idx.msk [tilespmem:v9+s4+$0x0], $0xffff  }
0x8d: {  	s23 =	sadd.s32 s14, s8;
	s14 =	sadd.s32 s20, s8;
	s20 =	sadd.s32 s21, s8;
	v9 =	vld.idx.msk [tilespmem:v11+s4+$0x0], $0xffff  }
0x8e: {  	s23 =	sadd.s32 s28, s23;
	s21 =	sadd.s32 s11, s8;
	[tilespmem:v3+s5+$0x0 ss:$0x1] =	vst.idx.msk $0xffff, v10;
	v10 =	vld.idx.msk [tilespmem:v12+s4+$0x0], $0xffff;
	s5 =	sadd.s32 s24, s8  }
.LBB2_9:
0x8f: {  	s11 =	rddreg [dreg:$0x3];
	s29 =	sadd.s32 $0x8, s29  }
0x90: {  	s3 =	sadd.s32 s3, s14;
	s19 =	sadd.s32 s19, s15;
	s2 =	sadd.s32 s2, s20  }
0x91: {  	s1 =	sadd.s32 s1, s6;
	s21 =	sadd.s32 s17, s21;
	s30 =	sadd.s32 $0x80, s30  }
0x92: {  	s26 =	sadd.s32 $0x400, s26;
	p3 =	slt.s32 s29, s12;
	s22 =	sadd.s32 s30, s11  }
0x93: {  	s24 =	sadd.s32 $0x10, s22;
	s11 =	sadd.s32 $0x20, s22;
	s14 =	sadd.s32 $0x80, s22  }
0x94: {  	s15 =	sadd.s32 $0x40, s22;
	s20 =	sadd.s32 $0x60, s22;
	s6 =	sadd.s32 $0x70, s22;
	[tilespmem:v3+s23+$0x0 ss:$0x1] =	vst.idx.msk $0xffff, v4  }
0x95: {  	s28 =	sadd.s32 s7, s14;
	s17 =	sadd.s32 s7, s11;
	s14 =	sand.u32 $0x70, s14;
	[tilespmem:v3+s3+$0x0 ss:$0x1] =	vst.idx.msk $0xffff, v5  }
0x96: {  	s23 =	sadd.s32 s18, s5;
	[tilespmem:v3+s1+$0x0 ss:$0x1] =	vst.idx.msk $0xffff, v8;
	s1 =	sadd.s32 $0x30, s22;
	s18 =	sadd.s32 $0x50, s22  }
0x97: {  	[tilespmem:v3+s21+$0x0 ss:$0x1] =	vst.idx.msk $0xffff, v9;
	s3 =	sadd.s32 s7, s24;
	s21 =	sadd.s32 s7, s15;
	s5 =	sand.u32 $0x70, s24  }
0x98: {  	[tilespmem:v3+s2+$0x0 ss:$0x1] =	vst.idx.msk $0xffff, v7;
	v4 =	vadd.s32 s28, v0;
	s24 =	rddreg [dreg:$0x4];
	s28 =	sadd.s32 s7, s6;
	s2 =	sand.u32 $0x70, s15  }
0x99: {  	[tilespmem:v3+s19+$0x0 ss:$0x1] =	vst.idx.msk $0xffff, v6;
	v6 =	vadd.s32 s17, v0;
	s17 =	sand.u32 $0x70, s20;
	s19 =	sadd.s32 s7, s1;
	v5 =	vadd.s32 s3, v0;
	s22 =	sadd.s32 s7, s18  }
0x9a: {  	[tilespmem:v3+s23+$0x0 ss:$0x1] =	vst.idx.msk $0xffff, v10;
	s23 =	sadd.s32 s7, s20;
	s3 =	sand.u32 $0x70, s11;
	s11 =	sadd.s32 s26, s24  }
0x9b: {  	v7 =	vadd.s32 s19, v0;
	s19 =	sand.u32 $0x70, s1;
	s1 =	sand.u32 $0x70, s18;
	s18 =	sand.u32 $0x70, s6  }
0x9c: {  	v8 =	vadd.s32 s21, v0;
	v10 =	vadd.s32 s23, v0;
	s15 =	sadd.s32 $0x80, s11;
	s23 =	sadd.s32 $0x100, s11;
	s24 =	sadd.s32 $0x400, s11  }
0x9d: {  	v11 =	vadd.s32 s28, v0;
	v9 =	vadd.s32 s22, v0;
	s21 =	sadd.s32 $0x180, s11;
	s22 =	sadd.s32 $0x200, s11;
	s28 =	sadd.s32 $0x280, s11;
	v12 =	vld.idx.msk [tilespmem:v4+s4+$0x0], $0xffff  }
0x9e: {  	s20 =	sand.u32 $0xFFFFFC00, s24;
	s24 =	sadd.s32 $0x300, s11;
	s11 =	sadd.s32 $0x380, s11;
	v4 =	vld.idx.msk [tilespmem:v5+s4+$0x0], $0xffff  }
0x9f: {  	s6 =	sand.u32 $0xFFFFFC00, s15;
	s15 =	sand.u32 $0xFFFFFC00, s23;
	s21 =	sand.u32 $0xFFFFFC00, s21;
	v5 =	vld.idx.msk [tilespmem:v6+s4+$0x0], $0xffff  }
.Ltmp11:
0xa0: {  	s22 =	sand.u32 $0xFFFFFC00, s22;
	s23 =	sand.u32 $0xFFFFFC00, s28;
	v6 =	vld.idx.msk [tilespmem:v7+s4+$0x0], $0xffff;
	(pc) =	sbr.rel @p3 .LBB2_9-.Ltmp11, $4  }
0xa1: {  	s20 =	sadd.s32 s20, s8;
	s24 =	sand.u32 $0xFFFFFC00, s24;
	s28 =	sadd.s32 s6, s8;
	v7 =	vld.idx.msk [tilespmem:v8+s4+$0x0], $0xffff  }
0xa2: {  	s11 =	sand.u32 $0xFFFFFC00, s11;
	s6 =	sadd.s32 s23, s8;
	s14 =	sadd.s32 s14, s20;
	v8 =	vld.idx.msk [tilespmem:v9+s4+$0x0], $0xffff  }
0xa3: {  	s20 =	sadd.s32 s22, s8;
	s23 =	sadd.s32 s5, s28;
	s5 =	sadd.s32 s11, s8;
	v9 =	vld.idx.msk [tilespmem:v10+s4+$0x0], $0xffff  }
0xa4: {  	v10 =	vld.idx.msk [tilespmem:v11+s4+$0x0], $0xffff;
	[tilespmem:v3+s14+$0x0 ss:$0x1] =	vst.idx.msk $0xffff, v12;
	s14 =	sadd.s32 s15, s8;
	s15 =	sadd.s32 s21, s8;
	s21 =	sadd.s32 s24, s8  }
.LBB2_10:
0xa5: {  	_ =	sdelay $0x3  }
0xa6: {  	[tilespmem:v3+s23+$0x0 ss:$0x1] =	vst.idx.msk $0xffff, v4;
	s3 =	sadd.s32 s3, s14  }
0xa7: {  	s26 =	sadd.s32 s19, s15;
	[tilespmem:v3+s3+$0x0 ss:$0x1] =	vst.idx.msk $0xffff, v5  }
0xa8: {  	s2 =	sadd.s32 s2, s20;
	[tilespmem:v3+s26+$0x0 ss:$0x1] =	vst.idx.msk $0xffff, v6  }
0xa9: {  	s1 =	sadd.s32 s1, s6;
	[tilespmem:v3+s2+$0x0 ss:$0x1] =	vst.idx.msk $0xffff, v7  }
0xaa: {  	s28 =	sadd.s32 s17, s21;
	[tilespmem:v3+s1+$0x0 ss:$0x1] =	vst.idx.msk $0xffff, v8  }
0xab: {  	s29 =	sadd.s32 s18, s5;
	[tilespmem:v3+s28+$0x0 ss:$0x1] =	vst.idx.msk $0xffff, v9  }
0xac: {  	[tilespmem:v3+s29+$0x0 ss:$0x1] =	vst.idx.msk $0xffff, v10  }
0xad: {  	s15 =	rddreg [dreg:$0x5]  }
0xae: {  	s30 =	rddreg [dreg:$0x6]  }
0xaf: {  	s17 =	rddreg [dreg:$0x19]  }
0xb0: {  	s5 =	rddreg [dreg:$0x1a]  }
.LBB2_11:
0xb1: {  	p3 =	sgt.s32 s12, $0x1F  }
.Ltmp12:
0xb2: {  	_ = 	snop;
	(pc) =	sbr.rel @p3 .LBB2_14-.Ltmp12, $1  }
0xb3: {  	_ =	sdelay $0x3  }
0xb4: {  	s1 =	sadd.s32 s5, s17  }
0xb5: {  	s2 =	sshll.u32 s12, $0x7;
	s3 =	sshll.u32 s12, $0x4;
	v3 =	vmov s31;
	s1 =	sadd.s32 s9, s1  }
.LBB2_13:
0xb6: {  	s5 =	sadd.s32 s7, s3  }
0xb7: {  	v4 =	vadd.s32 s5, v0;
	_ =	sdelay $0x3  }
0xb8: {  	s1 =	sadd.s32 $0x1, s1  }
0xb9: {  	p3 =	slt.s32 s1, $0x1F;
	v4 =	vld.idx.msk [tilespmem:v4+s4+$0x0], $0xffff  }
.Ltmp13:
0xba: {  	_ = 	snop;
	(pc) =	sbr.rel @p3 .LBB2_13-.Ltmp13, $4  }
0xbb: {  	s31 =	sand.u32 $0xFFFFFC00, s2  }
0xbc: {  	s6 =	sand.u32 $0x70, s3;
	s5 =	sadd.s32 s31, s8  }
0xbd: {  	s5 =	sadd.s32 s6, s5  }
0xbe: {  	s2 =	sadd.s32 $0x80, s2;
	s3 =	sadd.s32 $0x10, s3;
	[tilespmem:v3+s5+$0x0 ss:$0x1] =	vst.idx.msk $0xffff, v4  }
.Ltmp14:
0xbf: {  	_ = 	snop;
	(pc) =	sbr.rel .LBB2_14-.Ltmp14, $1  }
0xc0: {  	_ =	sdelay $0x3  }
.LBB2_15:
0xc1: {  	s12 =	simm.s32 $0x0  }
0xc2: {  	s1 =	rddreg [dreg:$0xb];
	s0 =	simm.s32 $0x3000;
	s29 =	simm.s32 $0x3  }
0xc3: {  	[hbm4b:s1+s12] =	stream.linear.scatter [tilespmem:s0], [sflag:$0x3], $0x2000, $0x38;
	[tilespmem:$0x7000] =	vst v63  }
0xc4: {  	_ =	swait.ge [sflag:s29], $0x2000  }
.Ltmp15:
0xc5: {  	[sflag:s29] =	ssyncset.done $0x0;
	(pc) =	sbr.rel .LBB2_16-.Ltmp15, $4  }
0xc6: {  	s31 =	simm.s32 $0x2;
	[sflag:s29] =	ssyncadd.s32 $0xFFFFE000  }
0xc7: {  	_ =	swait.ge [sflag:s31], $0x1000  }
0xc8: {  	[sflag:s31] =	ssyncset.done $0x0  }
0xc9: {  	s28 =	simm.s32 $0x0;
	[sflag:s31] =	ssyncadd.s32 $0xFFFFF000  }
.LBB2_22:
0xca: {  	s28 =	sadd.s32 $0x1, s28  }
0xcb: {  	p3 =	sne.s32 s28, $0x10  }
.Ltmp16:
0xcc: {  	_ = 	snop;
	(pc) =	sbr.rel @!p3 .LBB2_23-.Ltmp16, $1  }
0xcd: {  	_ =	sdelay $0x3  }
.LBB2_16:
0xce: {  	s2 =	sor.u32 s30, s28  }
0xcf: {  	s3 =	sand.u32 $0x1, s28;
	s6 =	rddreg [dreg:$0x8];
	s23 =	sshll.u32 s28, $0x9  }
0xd0: {  	s7 =	sshll.u32 s28, $0x7;
	s26 =	sand.u32 $0x7FFFFC00, s12;
	s1 =	sshrl.u32 s2, $0x1  }
0xd1: {  	s2 =	sshll.u32 s2, $0x9;
	p3 =	seq.s32 s3, $0x1;
	s3 =	smov.u32 s1  }
0xd2: {  	s31 =	sand.u32 $0x380, s7;
	s3 =	simm.s32 @!p3 $0x0;
	p3 =	sgt.u32 s13, $0x4  }
.Ltmp17:
0xd3: {  	s5 =	ssub.s32 $0x1, s1;
	s6 =	sadd.s32 s6, s1;
	(pc) =	sbr.rel @!p3 .LBB2_18-.Ltmp17, $4  }
0xd4: {  	s24 =	sand.u32 $0x1000, s23;
	v3 =	vmov s31;
	s5 =	smul.u32 s1, s5;
	s3 =	sadd.s32 s3, s6  }
0xd5: {  	s29 =	sand.u32 $0x40, s12;
	s8 =	sadd.s32 $0x5000, s24;
	s2 =	ssub.s32 s2, s3  }
0xd6: {  	s6 =	simm.s32 $0x0;
	s3 =	sadd.s32 s26, s8;
	s7 =	sadd.s32 s5, s2  }
0xd7: {  	s2 =	simm.s32 $0x4;
	s3 =	sadd.s32 s29, s3;
	s5 =	simm.s32 $0x0  }
.LBB2_17:
0xd8: {  	s2 =	sadd.s32 $0x4, s2  }
0xd9: {  	[tilespmem:v3+s3+$0x30 ss:$0x1] =	vst.idx.msk $0xffff, v2;
	s5 =	sadd.s32 $0x200, s5;
	s6 =	sadd.s32 $0x40, s6;
	p3 =	slt.u32 s2, s13  }
.Ltmp18:
0xda: {  	[tilespmem:v3+s3+$0x20 ss:$0x1] =	vst.idx.msk $0xffff, v2;
	(pc) =	sbr.rel @p3 .LBB2_17-.Ltmp18, $4  }
0xdb: {  	[tilespmem:v3+s3+$0x0 ss:$0x1] =	vst.idx.msk $0xffff, v2  }
0xdc: {  	s9 =	sand.u32 $0x7FFFFC00, s5;
	[tilespmem:v3+s3+$0x10 ss:$0x1] =	vst.idx.msk $0xffff, v2  }
0xdd: {  	s9 =	sadd.s32 s9, s8;
	s3 =	sand.u32 $0x40, s6  }
0xde: {  	s3 =	sadd.s32 s3, s9  }
.LBB2_18:
0xdf: {  	_ =	sdelay $0x2  }
.Ltmp19:
0xe0: {  	_ = 	snop;
	(pc) =	sbr.rel @!p0 .LBB2_19-.Ltmp19, $4  }
0xe1: {  	[tilespmem:v3+s3+$0x30 ss:$0x1] =	vst.idx.msk $0xffff, v2  }
0xe2: {  	[tilespmem:v3+s3+$0x20 ss:$0x1] =	vst.idx.msk $0xffff, v2  }
0xe3: {  	[tilespmem:v3+s3+$0x0 ss:$0x1] =	vst.idx.msk $0xffff, v2  }
0xe4: {  	[tilespmem:v3+s3+$0x10 ss:$0x1] =	vst.idx.msk $0xffff, v2  }
0xe5: {  	s3 =	rddreg [dreg:$0x12]  }
0xe6: {  	s2 =	sadd.s32 s31, s8;
	s5 =	rddreg [dreg:$0x11];
	s6 =	smov.u32 s13  }
.LBB2_28:
0xe7: {  	s6 =	sadd.s32 $0x1, s6  }
0xe8: {  	p3 =	slt.u32 s6, s10  }
.Ltmp20:
0xe9: {  	_ = 	snop;
	(pc) =	sbr.rel @p3 .LBB2_28-.Ltmp20, $4  }
0xea: {  	s9 =	sand.u32 $0xFFFFFC00, s5  }
0xeb: {  	s11 =	sand.u32 $0x70, s3;
	s9 =	sadd.s32 s9, s2  }
0xec: {  	s9 =	sadd.s32 s11, s9  }
0xed: {  	s5 =	sadd.s32 $0x80, s5;
	s3 =	sadd.s32 $0x10, s3;
	[tilespmem:s9+$0x0] =	vst v2  }
.LBB2_19:
0xee: {  	v3 =	vadd.s32 s7, v1  }
0xef: {  	vm0 =	vgt.s32 v3, $0x0  }
0xf0: {  	v3 =	vnsel vm0, $0x0, v3;
	_ =	sdelay $0x4  }
0xf1: {  	v3 =	vld.idx.msk [tilespmem:v3+s25+$0x0], $0xffff;
	_ =	sdelay $0x1  }
.Ltmp21:
0xf2: {  	s2 =	rddreg [dreg:$0xf];
	(pc) =	sbr.rel @!p1 .LBB2_20-.Ltmp21, $4  }
0xf3: {  	s29 =	rddreg [dreg:$0xe];
	s2 =	sadd.s32 s2, s8  }
0xf4: {  	vm15 =	vlt.u32 v1, s1;
	s1 =	sadd.s32 s29, s2  }
0xf5: {  	s1 =	sadd.s32 s31, s1;
	v3 =	vsel vm15, $0x0, v3  }
0xf6: {  	[tilespmem:s1+$0x0] =	vst v3  }
0xf7: {  	s29 =	rddreg [dreg:$0x17]  }
0xf8: {  	s3 =	rddreg [dreg:$0x10]  }
0xf9: {  	s2 =	rddreg [dreg:$0x15]  }
0xfa: {  	s1 =	sadd.s32 $0xFFFFFFA0, s29;
	s0 =	sadd.s32 $0xFFFFFFF0, s29;
	s9 =	sadd.s32 $0x8, s3  }
0xfb: {  	s23 =	sadd.s32 $0xFFFFFFB0, s29;
	s6 =	sadd.s32 $0xFFFFFFC0, s29;
	s11 =	sadd.s32 $0xFFFFFFD0, s29  }
0xfc: {  	s12 =	sadd.s32 $0xFFFFFFE0, s29;
	s14 =	sadd.s32 $0xFFFFFF90, s29;
	s22 =	sadd.s32 s7, s29  }
0xfd: {  	s24 =	sadd.s32 $0xFFFFFF80, s2;
	s26 =	sadd.s32 $0xFFFFFE00, s2;
	s5 =	sadd.s32 s7, s0  }
0xfe: {  	p3 =	slt.u32 s9, s16;
	s15 =	sadd.s32 s7, s1;
	s17 =	sadd.s32 s7, s23  }
0xff: {  	s18 =	sadd.s32 s7, s14;
	s19 =	sadd.s32 s7, s6;
	s20 =	sadd.s32 s7, s11  }
0x100: {  	s14 =	sand.u32 $0x70, s14;
	s21 =	sadd.s32 s7, s12;
	s1 =	sand.u32 $0x70, s1  }
0x101: {  	s3 =	sand.u32 $0x70, s23;
	s6 =	sand.u32 $0x70, s6;
	s11 =	sand.u32 $0x70, s11  }
0x102: {  	s12 =	sand.u32 $0x70, s12;
	s23 =	sadd.s32 $0xFFFFFD00, s2;
	s24 =	sand.u32 $0xFFFFFC00, s24;
	v3 =	vadd.s32 s5, v0  }
0x103: {  	s0 =	sand.u32 $0x70, s0;
	s5 =	sadd.s32 $0xFFFFFC80, s2;
	v4 =	vadd.s32 s18, v0;
	s18 =	sadd.s32 $0xFFFFFD80, s2  }
0x104: {  	v5 =	vadd.s32 s15, v0;
	s15 =	sadd.s32 $0xFFFFFE80, s2;
	s24 =	sadd.s32 s24, s8;
	s23 =	sand.u32 $0xFFFFFC00, s23  }
0x105: {  	v6 =	vadd.s32 s17, v0;
	v7 =	vadd.s32 s19, v0;
	s19 =	sand.u32 $0xFFFFFC00, s26;
	s26 =	sand.u32 $0xFFFFFC00, s2;
	v11 =	vadd.s32 s21, v0;
	s21 =	sand.u32 $0x70, s29  }
0x106: {  	s5 =	sand.u32 $0xFFFFFC00, s5;
	s0 =	sadd.s32 s0, s24;
	s24 =	sadd.s32 $0xFFFFFF00, s2  }
0x107: {  	s18 =	sand.u32 $0xFFFFFC00, s18;
	s15 =	sand.u32 $0xFFFFFC00, s15;
	s19 =	sadd.s32 s19, s8;
	v8 =	vld.idx.msk [tilespmem:v3+s25+$0x0], $0xffff  }
0x108: {  	v13 =	vadd.s32 s22, v0;
	v9 =	vadd.s32 s20, v0;
	s22 =	sadd.s32 s26, s8;
	s0 =	sadd.s32 s31, s0;
	s17 =	sand.u32 $0xFFFFFC00, s24;
	v10 =	vld.idx.msk [tilespmem:v4+s25+$0x0], $0xffff  }
0x109: {  	s5 =	sadd.s32 s5, s8;
	s24 =	sadd.s32 s23, s8;
	s18 =	sadd.s32 s18, s8;
	v12 =	vld.idx.msk [tilespmem:v5+s25+$0x0], $0xffff  }
0x10a: {  	s15 =	sadd.s32 s15, s8;
	s23 =	sadd.s32 s6, s19;
	s17 =	sadd.s32 s17, s8;
	v14 =	vld.idx.msk [tilespmem:v6+s25+$0x0], $0xffff  }
.Ltmp22:
0x10b: {  	s5 =	sadd.s32 s14, s5;
	s1 =	sadd.s32 s1, s24;
	(pc) =	sbr.rel @!p3 .LBB2_31-.Ltmp22, $4  }
0x10c: {  	s3 =	sadd.s32 s3, s18;
	s24 =	sadd.s32 s11, s15;
	s5 =	sadd.s32 s31, s5;
	v3 =	vld.idx.msk [tilespmem:v7+s25+$0x0], $0xffff;
	[tilespmem:s0+$0x0] =	vst v8  }
0x10d: {  	s14 =	sadd.s32 s21, s22;
	s11 =	sadd.s32 s31, s23;
	s1 =	sadd.s32 s31, s1;
	v4 =	vld.idx.msk [tilespmem:v9+s25+$0x0], $0xffff;
	[tilespmem:s5+$0x0] =	vst v10  }
0x10e: {  	s12 =	sadd.s32 s12, s17;
	s26 =	sadd.s32 s31, s3;
	s6 =	sadd.s32 s31, s24;
	v5 =	vld.idx.msk [tilespmem:v11+s25+$0x0], $0xffff;
	[tilespmem:s1+$0x0] =	vst v12  }
0x10f: {  	s3 =	sadd.s32 s31, s14;
	v6 =	vld.idx.msk [tilespmem:v13+s25+$0x0], $0xffff;
	s5 =	sadd.s32 s31, s12;
	[tilespmem:s26+$0x0] =	vst v14;
	s1 =	sadd.s32 $0x80, s29  }
.LBB2_30:
0x110: {  	s12 =	sadd.s32 $0xFFFFFFA0, s1  }
0x111: {  	s14 =	sadd.s32 $0xFFFFFFF0, s1;
	s9 =	sadd.s32 $0x8, s9;
	[tilespmem:s11+$0x0] =	vst v3;
	s11 =	sadd.s32 $0xFFFFFFB0, s1  }
0x112: {  	s17 =	sadd.s32 $0xFFFFFFD0, s1;
	s15 =	sadd.s32 s7, s14;
	p3 =	slt.u32 s9, s16;
	[tilespmem:s6+$0x0] =	vst v4  }
0x113: {  	s18 =	sadd.s32 $0xFFFFFFE0, s1;
	s2 =	sadd.s32 $0x400, s2;
	s6 =	sadd.s32 $0xFFFFFFC0, s1;
	v3 =	vadd.s32 s15, v0;
	[tilespmem:s5+$0x0] =	vst v5  }
0x114: {  	s19 =	sadd.s32 s7, s11;
	s5 =	sadd.s32 $0xFFFFFF90, s1;
	s15 =	sadd.s32 s7, s12;
	[tilespmem:s3+$0x0] =	vst v6  }
0x115: {  	v5 =	vadd.s32 s19, v0;
	s19 =	sadd.s32 s7, s17;
	s3 =	sadd.s32 s7, s5;
	v4 =	vadd.s32 s15, v0;
	s15 =	sadd.s32 s7, s6  }
0x116: {  	v8 =	vadd.s32 s19, v0;
	v6 =	vadd.s32 s3, v0;
	s3 =	sand.u32 $0x70, s5;
	v7 =	vadd.s32 s15, v0;
	s5 =	sadd.s32 s7, s18;
	s15 =	sadd.s32 s7, s1  }
0x117: {  	s11 =	sand.u32 $0x70, s11;
	s12 =	sand.u32 $0x70, s12;
	s6 =	sand.u32 $0x70, s6;
	v9 =	vadd.s32 s5, v0;
	v10 =	vadd.s32 s15, v0  }
0x118: {  	s20 =	sadd.s32 $0xFFFFFD80, s2;
	s5 =	sand.u32 $0x70, s17;
	s15 =	sand.u32 $0x70, s18;
	v11 =	vld.idx.msk [tilespmem:v3+s25+$0x0], $0xffff  }
0x119: {  	s19 =	sadd.s32 $0xFFFFFF80, s2;
	s17 =	sadd.s32 $0xFFFFFC80, s2;
	s18 =	sadd.s32 $0xFFFFFD00, s2  }
0x11a: {  	s21 =	sadd.s32 $0xFFFFFE00, s2;
	s22 =	sadd.s32 $0xFFFFFE80, s2;
	s19 =	sand.u32 $0xFFFFFC00, s19;
	v12 =	vld.idx.msk [tilespmem:v4+s25+$0x0], $0xffff  }
0x11b: {  	s14 =	sand.u32 $0x70, s14;
	s23 =	sadd.s32 $0xFFFFFF00, s2;
	s19 =	sadd.s32 s19, s8;
	v13 =	vld.idx.msk [tilespmem:v6+s25+$0x0], $0xffff  }
0x11c: {  	s17 =	sand.u32 $0xFFFFFC00, s17;
	s14 =	sadd.s32 s14, s19;
	s18 =	sand.u32 $0xFFFFFC00, s18;
	v14 =	vld.idx.msk [tilespmem:v5+s25+$0x0], $0xffff  }
0x11d: {  	s19 =	sand.u32 $0xFFFFFC00, s20;
	s20 =	sand.u32 $0xFFFFFC00, s21;
	s14 =	sadd.s32 s31, s14;
	v3 =	vld.idx.msk [tilespmem:v7+s25+$0x0], $0xffff  }
0x11e: {  	s21 =	sand.u32 $0xFFFFFC00, s22;
	s22 =	sand.u32 $0xFFFFFC00, s23;
	s23 =	sand.u32 $0x70, s1;
	v4 =	vld.idx.msk [tilespmem:v8+s25+$0x0], $0xffff;
	[tilespmem:s14+$0x0] =	vst v11  }
0x11f: {  	s14 =	sadd.s32 s17, s8;
	s17 =	sadd.s32 s18, s8;
	s18 =	sand.u32 $0xFFFFFC00, s2;
	v5 =	vld.idx.msk [tilespmem:v9+s25+$0x0], $0xffff  }
0x120: {  	s19 =	sadd.s32 s19, s8;
	s20 =	sadd.s32 s20, s8;
	s21 =	sadd.s32 s21, s8;
	v6 =	vld.idx.msk [tilespmem:v10+s25+$0x0], $0xffff  }
0x121: {  	s22 =	sadd.s32 s22, s8;
	s11 =	sadd.s32 s11, s19;
	s18 =	sadd.s32 s18, s8  }
0x122: {  	s6 =	sadd.s32 s6, s20;
	s3 =	sadd.s32 s3, s14;
	s12 =	sadd.s32 s12, s17  }
.Ltmp23:
0x123: {  	s5 =	sadd.s32 s5, s21;
	s14 =	sadd.s32 s15, s22;
	(pc) =	sbr.rel @p3 .LBB2_30-.Ltmp23, $4  }
0x124: {  	s3 =	sadd.s32 s31, s3;
	s12 =	sadd.s32 s31, s12;
	s15 =	sadd.s32 s23, s18  }
0x125: {  	s17 =	sadd.s32 s31, s11;
	s11 =	sadd.s32 s31, s6;
	s6 =	sadd.s32 s31, s5;
	[tilespmem:s3+$0x0] =	vst v13  }
0x126: {  	s5 =	sadd.s32 s31, s14;
	s3 =	sadd.s32 s31, s15;
	[tilespmem:s12+$0x0] =	vst v12  }
0x127: {  	s1 =	sadd.s32 $0x80, s1;
	[tilespmem:s17+$0x0] =	vst v14  }
.LBB2_31:
0x128: {  	_ = 	snop  }
0x129: {  	[tilespmem:s11+$0x0] =	vst v3  }
0x12a: {  	[tilespmem:s6+$0x0] =	vst v4  }
0x12b: {  	[tilespmem:s5+$0x0] =	vst v5  }
0x12c: {  	s12 =	simm.s32 $0x0;
	[tilespmem:s3+$0x0] =	vst v6  }
.LBB2_20:
.Ltmp24:
0x12d: {  	(pc) =	sbr.rel @p2 .LBB2_22-.Ltmp24, $4  }
0x12e: {  	_ = 	snop  }
0x12f: {  	s1 =	rddreg [dreg:$0x16]  }
0x130: {  	s2 =	rddreg [dreg:$0x14]  }
0x131: {  	s3 =	rddreg [dreg:$0x13]  }
.LBB2_21:
0x132: {  	s5 =	sadd.s32 s7, s1  }
0x133: {  	v3 =	vadd.s32 s5, v0;
	_ =	sdelay $0x3  }
0x134: {  	s3 =	sadd.s32 $0x1, s3  }
0x135: {  	p3 =	slt.u32 s3, $0x1F;
	v3 =	vld.idx.msk [tilespmem:v3+s25+$0x0], $0xffff  }
.Ltmp25:
0x136: {  	s29 =	sand.u32 $0x7FFFFC00, s2;
	(pc) =	sbr.rel @p3 .LBB2_21-.Ltmp25, $4  }
0x137: {  	s6 =	sand.u32 $0x70, s1;
	s5 =	sadd.s32 s29, s8  }
0x138: {  	s5 =	sadd.s32 s6, s5  }
0x139: {  	s5 =	sadd.s32 s31, s5  }
0x13a: {  	s2 =	sadd.s32 $0x80, s2;
	s1 =	sadd.s32 $0x10, s1;
	[tilespmem:s5+$0x0] =	vst v3  }
.Ltmp26:
0x13b: {  	_ = 	snop;
	(pc) =	sbr.rel .LBB2_22-.Ltmp26, $1  }
0x13c: {  	_ =	sdelay $0x3  }
.LBB2_24:
0x13d: {  	_ =	sfence.sel $0x180000  }
0x13e: {  	[bflag:$0x0] =	sbarrier.arrive $0xFFFF  }
0x13f: {  	_ =	strace $0x90000047  }
0x140: {  	s0 =	stileid.u32;
	[bflag:$0x2] =	sbarrier.arrive $0xFFFF  }
0x141: {  	p0 =	sne.s32 s0, $0x0;
	s0 =	rddreg [dreg:$0x2]  }
0x142: {  	s0 =	sadd.s32 @!p0 $0x100000, s0  }
0x143: {  	[sflag:s0] =	ssyncadd.tile.s32 @!p0 $0x1;
	_ =	shalt  }
.Lfunc_end2:
_tile_overlayer_lowered:
.L_overlay_start_2:
0x144: {  	(tag) =	ssettag $0x2  }
0x145: {  	s0 =	rddreg [dreg:$0x0];
	s2 =	stileid.u32  }
0x146: {  	s1 =	rddreg [dreg:$0x1];
	p0 =	sne.s32 s2, $0x0  }
0x147: {  	s3 =	rddreg [dreg:$0x2];
	[bflag:$0x3] =	sbarrier.arrive $0xFFFF;
	s2 =	simm.s32 @!p0 $0x1C03  }
0x148: {  	[timem:s3], [sflag:s2] =	dma.local @!p0 [hbm:s0], s1  }
0x149: {  	s0 =	simm.s32 @!p0 $0x3  }
0x14a: {  	_ =	swait.ge @!p0 [sflag:s0], s1  }
0x14b: {  	s1 =	ssub.s32 @!p0 $0x0, s1;
	[sflag:s0] =	ssyncset.done @!p0 $0x0  }
0x14c: {  	[sflag:s0] =	ssyncadd.s32 @!p0 s1  }
0x14d: {  	[bflag:$0x3] =	sbarrier.arrive $0xFFFF  }
0x14e: {  	_ =	shalt  }

</sc_bundles>
